<compile_context>
chip_gen: v7x
topology: tpu7x:2x2x1
jax: 0.10.2.dev20260603
libtpu: 0.0.44.dev20260713+nightly
codegen_flags: <defaults>
</compile_context>

<pallas_src>
import functools

import jax
import jax.numpy as jnp
import numpy as np
from jax import lax
from jax.experimental import pallas as pl
from jax.experimental.pallas import tpu as pltpu
from jax.experimental.pallas import tpu_sc as plsc

C, S, W, K = 64, 8, 1024, 32
NC, NS, L = 2, 16, 16
NW = NC * NS
CPW = C // NW
ELEMS_PW = CPW * S * W
WORDS_PC = W * (K // 8)
WORDS_PW = CPW * WORDS_PC


@functools.cache
def _get_sc_hist():
    mesh = plsc.VectorSubcoreMesh(core_axis_name="c", subcore_axis_name="s")

    @functools.partial(
        pl.kernel,
        mesh=mesh,
        compiler_params=pltpu.CompilerParams(needs_layout_passes=False),
        out_type=(
            jax.ShapeDtypeStruct((NW * WORDS_PW,), jnp.int32),
            jax.ShapeDtypeStruct((2 * NW * L,), jnp.float32),
        ),
        scratch_types=[
            pltpu.VMEM((ELEMS_PW,), jnp.int32),
            pltpu.VMEM((WORDS_PW,), jnp.int32),
            pltpu.VMEM((9 * L,), jnp.float32),
            pltpu.SemaphoreType.DMA,
            pltpu.SemaphoreType.DMA,
        ],
    )
    def _sc_hist(t_hbm, out_hbm, insum_hbm, t_v, cnt_v, g_v, in_sem, g_sem):
        wid = lax.axis_index("s") * NC + lax.axis_index("c")
        in_cp = pltpu.async_copy(
            t_hbm.at[pl.ds(wid * ELEMS_PW, ELEMS_PW)], t_v, in_sem
        )
        for m in range(1, 9):
            gm = float(np.sqrt(m * (8.0 - m)) / m)
            g_v[pl.ds(m * L, L)] = jnp.full((L,), gm, jnp.float32)

        zeros = jnp.zeros((L,), jnp.int32)

        @plsc.parallel_loop(0, WORDS_PW // L, 1, unroll=4)
        def zbody(i):
            cnt_v[pl.ds(i * L, L)] = zeros

        in_cp.wait()

        lanes4 = lax.iota(jnp.int32, L) * (K // 8)
        n_chunks = S * W // L

        @plsc.parallel_loop(0, n_chunks, 1, unroll=8)
        def body(i):
            base = ((i >> 6) << 9) + ((i & 7) << 6)
            for c_local in range(CPW):
                t = t_v[pl.ds(c_local * S * W + i * L, L)]
                tm1 = t - 1
                val = jnp.int32(1) << ((tm1 & 7) << 2)
                idx = (tm1 >> 3) + (lanes4 + (base + c_local * WORDS_PC))
                plsc.addupdate_scatter(cnt_v, [idx], val)
        out_cp = pltpu.async_copy(
            cnt_v, out_hbm.at[pl.ds(wid * WORDS_PW, WORDS_PW)], in_sem
        )

        lanes1 = lax.iota(jnp.int32, L)

        @plsc.parallel_loop(0, n_chunks, 1, unroll=4,
                            carry=jnp.zeros((L,), jnp.float32))
        def acc_loop(i, acc):
            base = ((i >> 6) << 9) + ((i & 7) << 6)
            for c_local in range(CPW):
                t = t_v[pl.ds(c_local * S * W + i * L, L)]
                tm1 = t - 1
                idx = (tm1 >> 3) + (lanes4 + (base + c_local * WORDS_PC))
                word = plsc.load_gather(cnt_v, [idx])
                m = (word >> ((tm1 & 7) << 2)) & 15
                acc = acc + plsc.load_gather(g_v, [(m << 4) + lanes1])
            return acc

        g_v[pl.ds(0, L)] = acc_loop
        out2_cp = pltpu.async_copy(
            g_v.at[pl.ds(0, L)], insum_hbm.at[pl.ds(wid * L, L)], g_sem
        )
        out2_cp.wait()
        g_v[pl.ds(0, L)] = jnp.zeros((L,), jnp.float32)
        out3_cp = pltpu.async_copy(
            g_v.at[pl.ds(0, L)], insum_hbm.at[pl.ds((NW + wid) * L, L)], g_sem
        )
        out_cp.wait()
        out3_cp.wait()

    return _sc_hist


def _tc_reduce_body(pk_ref, part_ref, out_ref):
    p = pk_ref[...]
    inter_sum = jnp.float32(0.0)
    for j in range(8):
        n = ((p >> (4 * j)) & 15).astype(jnp.float32)
        s1 = jnp.sum(n, axis=0)
        s2 = jnp.sum(n * n, axis=0)
        d = jnp.maximum(s2 - s1 * s1 * (1.0 / C), 0.0)
        inter_sum += jnp.sum(jnp.sqrt(d))
    in_sum = jnp.sum(part_ref[...])
    scale_in = 1.0 / (C * (S * (S - 1)) ** 0.5)
    scale_inter = (S * S * (C - 1)) ** 0.5
    out_ref[0, 0] = scale_inter / inter_sum + in_sum * scale_in


def kernel(target):
    t_flat = target.reshape(C, S, W // 128, 128).transpose(0, 2, 1, 3).reshape(-1)
    packed, insums = _get_sc_hist()(t_flat)
    packed = packed.reshape(C, WORDS_PC // 128, 128)
    res = pl.pallas_call(
        _tc_reduce_body,
        out_shape=jax.ShapeDtypeStruct((1, 1), jnp.float32),
        out_specs=pl.BlockSpec(memory_space=pltpu.SMEM),
    )(packed, insums.reshape(2 * NW * L // 128, 128))
    return res[0, 0]

# --- scband reference (transcript-rebuilt; emitter-appended) ---
"""Pipeline reference for scband-stdloss-75222057222180 (READ-ONLY COPY).

The authoritative reference and input builder live on the scoring server;
editing this copy changes nothing except your own understanding.
"""

import jax, jax.numpy as jnp
import numpy as np

CLUSTER_NUM = 32


def setup_inputs(seed: int = 0) -> dict:
    key = jax.random.key(seed)
    # target values must lie in [1, cluster_num] because forward scatters at index (target - 1)
    target = jax.random.randint(key, (64, 8, 1024), 1, CLUSTER_NUM + 1, dtype=jnp.int32)
    return {"target": target}


def reference(target):
    C, S, W = int(target.shape[0]), int(target.shape[1]), int(target.shape[2])
    target_labels = (target - 1).reshape(C, S, W)
    # scatter_(3, target_labels, 1) on a zeros tensor == one-hot along last dim
    one_hot = jax.nn.one_hot(target_labels, CLUSTER_NUM, dtype=jnp.float32)  # [C, S, W, K]
    one_hot_ = jnp.mean(one_hot, axis=1).reshape(C, -1)
    # torch.std defaults to unbiased (ddof=1)
    inter_class_loss = 1.0 / jnp.sum(jnp.std(one_hot_, axis=0, ddof=1))
    if S > 1:
        class_one_hot = one_hot.reshape(C, S, -1)
        class_one_hot = jnp.std(class_one_hot, axis=1, ddof=1)
        class_one_hot = jnp.sum(class_one_hot, axis=1)
        in_class_loss = jnp.mean(class_one_hot)
        return inter_class_loss + in_class_loss
    else:
        return inter_class_loss

if __name__ == "__main__":
    import jax
    _d = setup_inputs()
    print(jax.jit(kernel)(*tuple(_d.values())))

</pallas_src>

<mosaic_0001>
#map = affine_map<(d0, d1) -> (0)>
module attributes {stable_mosaic.version = 14 : i64} {
  func.func @_sc_hist(%arg0: i32, %arg1: i32, %arg2: memref<524288xi32, #tpu.memory_space<hbm>>, %arg3: memref<262144xi32, #tpu.memory_space<hbm>>, %arg4: memref<1024xf32, #tpu.memory_space<hbm>>, %arg5: memref<16384xi32, #tpu.memory_space<vmem>>, %arg6: memref<8192xi32, #tpu.memory_space<vmem>>, %arg7: memref<144xf32, #tpu.memory_space<vmem>>, %arg8: memref<!tpu.dma_semaphore, #tpu.memory_space<semaphore_mem>>, %arg9: memref<!tpu.dma_semaphore, #tpu.memory_space<semaphore_mem>>) attributes {dimension_semantics = [#tpu.dimension_semantics<core_parallel>, #tpu.dimension_semantics<subcore_parallel>], iteration_bounds = array<i64: 2, 16>, scalar_prefetch = 0 : i64, scratch_operands = 5 : i64, tpu.core_type = #tpu.core_type<sc_vector_subcore>, window_params = [{transform_indices = #map}, {transform_indices = #map}, {transform_indices = #map}]} {
    %mul3A = arith.constant 2 : i32
    %mul3A_0 = arith.muli %arg1, %mul3A : i32
    %add3A = arith.addi %mul3A_0, %arg0 : i32
    %mul3A_1 = arith.constant 16384 : i32
    %mul3A_2 = arith.muli %add3A, %mul3A_1 : i32
    %dma_start3A = tpu.memref_slice %arg2[%mul3A_2] : memref<524288xi32, #tpu.memory_space<hbm>> -> memref<16384xi32, #tpu.memory_space<hbm>>
    %dma_start3A_3 = tpu.memref_slice %arg2[%mul3A_2] : memref<524288xi32, #tpu.memory_space<hbm>> -> memref<16384xi32, #tpu.memory_space<hbm>>
    tpu.enqueue_dma source(%dma_start3A_3 : memref<16384xi32, #tpu.memory_space<hbm>>) target(%arg5 : memref<16384xi32, #tpu.memory_space<vmem>>) target_semaphore(%arg8 : memref<!tpu.dma_semaphore, #tpu.memory_space<semaphore_mem>>)
    %broadcast_in_dim3A = arith.constant 2.64575124 : f32
    %broadcast_in_dim3A_4 = vector.broadcast %broadcast_in_dim3A : f32 to vector<16xf32>
    %swap3A = arith.constant 16 : index
    %swap3A_5 = tpu.vector_load %arg7[%swap3A] {strides = array<i32>} : memref<144xf32, #tpu.memory_space<vmem>>, vector<16xf32>,
    tpu.vector_store %arg7[%swap3A], %broadcast_in_dim3A_4 {strides = array<i32>} : memref<144xf32, #tpu.memory_space<vmem>>, vector<16xf32>,
    %broadcast_in_dim3A_6 = arith.constant 1.73205078 : f32
    %broadcast_in_dim3A_7 = vector.broadcast %broadcast_in_dim3A_6 : f32 to vector<16xf32>
    %swap3A_8 = arith.constant 32 : index
    %swap3A_9 = tpu.vector_load %arg7[%swap3A_8] {strides = array<i32>} : memref<144xf32, #tpu.memory_space<vmem>>, vector<16xf32>,
    tpu.vector_store %arg7[%swap3A_8], %broadcast_in_dim3A_7 {strides = array<i32>} : memref<144xf32, #tpu.memory_space<vmem>>, vector<16xf32>,
    %broadcast_in_dim3A_10 = arith.constant 1.29099441 : f32
    %broadcast_in_dim3A_11 = vector.broadcast %broadcast_in_dim3A_10 : f32 to vector<16xf32>
    %swap3A_12 = arith.constant 48 : index
    %swap3A_13 = tpu.vector_load %arg7[%swap3A_12] {strides = array<i32>} : memref<144xf32, #tpu.memory_space<vmem>>, vector<16xf32>,
    tpu.vector_store %arg7[%swap3A_12], %broadcast_in_dim3A_11 {strides = array<i32>} : memref<144xf32, #tpu.memory_space<vmem>>, vector<16xf32>,
    %broadcast_in_dim3A_14 = arith.constant 1.000000e+00 : f32
    %broadcast_in_dim3A_15 = vector.broadcast %broadcast_in_dim3A_14 : f32 to vector<16xf32>
    %swap3A_16 = arith.constant 64 : index
    %swap3A_17 = tpu.vector_load %arg7[%swap3A_16] {strides = array<i32>} : memref<144xf32, #tpu.memory_space<vmem>>, vector<16xf32>,
    tpu.vector_store %arg7[%swap3A_16], %broadcast_in_dim3A_15 {strides = array<i32>} : memref<144xf32, #tpu.memory_space<vmem>>, vector<16xf32>,
    %broadcast_in_dim3A_18 = arith.constant 0.774596691 : f32
    %broadcast_in_dim3A_19 = vector.broadcast %broadcast_in_dim3A_18 : f32 to vector<16xf32>
    %swap3A_20 = arith.constant 80 : index
    %swap3A_21 = tpu.vector_load %arg7[%swap3A_20] {strides = array<i32>} : memref<144xf32, #tpu.memory_space<vmem>>, vector<16xf32>,
    tpu.vector_store %arg7[%swap3A_20], %broadcast_in_dim3A_19 {strides = array<i32>} : memref<144xf32, #tpu.memory_space<vmem>>, vector<16xf32>,
    %broadcast_in_dim3A_22 = arith.constant 0.577350259 : f32
    %broadcast_in_dim3A_23 = vector.broadcast %broadcast_in_dim3A_22 : f32 to vector<16xf32>
    %swap3A_24 = arith.constant 96 : index
    %swap3A_25 = tpu.vector_load %arg7[%swap3A_24] {strides = array<i32>} : memref<144xf32, #tpu.memory_space<vmem>>, vector<16xf32>,
    tpu.vector_store %arg7[%swap3A_24], %broadcast_in_dim3A_23 {strides = array<i32>} : memref<144xf32, #tpu.memory_space<vmem>>, vector<16xf32>,
    %broadcast_in_dim3A_26 = arith.constant 0.377964467 : f32
    %broadcast_in_dim3A_27 = vector.broadcast %broadcast_in_dim3A_26 : f32 to vector<16xf32>
    %swap3A_28 = arith.constant 112 : index
    %swap3A_29 = tpu.vector_load %arg7[%swap3A_28] {strides = array<i32>} : memref<144xf32, #tpu.memory_space<vmem>>, vector<16xf32>,
    tpu.vector_store %arg7[%swap3A_28], %broadcast_in_dim3A_27 {strides = array<i32>} : memref<144xf32, #tpu.memory_space<vmem>>, vector<16xf32>,
    %broadcast_in_dim3A_30 = arith.constant 0.000000e+00 : f32
    %broadcast_in_dim3A_31 = vector.broadcast %broadcast_in_dim3A_30 : f32 to vector<16xf32>
    %swap3A_32 = arith.constant 128 : index
    %swap3A_33 = tpu.vector_load %arg7[%swap3A_32] {strides = array<i32>} : memref<144xf32, #tpu.memory_space<vmem>>, vector<16xf32>,
    tpu.vector_store %arg7[%swap3A_32], %broadcast_in_dim3A_31 {strides = array<i32>} : memref<144xf32, #tpu.memory_space<vmem>>, vector<16xf32>,
    %broadcast_in_dim3A_34 = arith.constant 0 : i32
    %broadcast_in_dim3A_35 = vector.broadcast %broadcast_in_dim3A_34 : i32 to vector<16xi32>
    %parallel_loop3A = arith.constant 0 : i32
    %parallel_loop3A_36 = arith.constant 512 : i32
    %parallel_loop3A_37 = arith.constant 1 : i32
    scf.for %parallel_loop3A_94 = %parallel_loop3A to %parallel_loop3A_36 step %parallel_loop3A_37  : i32 {
      %parallel_loop3A_95 = arith.constant 16 : i32
      %parallel_loop3A_96 = arith.muli %parallel_loop3A_94, %parallel_loop3A_95 : i32
      %parallel_loop3A_97 = arith.index_cast %parallel_loop3A_96 : i32 to index
      %parallel_loop3A_98 = tpu.vector_load %arg6[%parallel_loop3A_97] {strides = array<i32>} : memref<8192xi32, #tpu.memory_space<vmem>>, vector<16xi32>,
      tpu.vector_store %arg6[%parallel_loop3A_97], %broadcast_in_dim3A_35 {strides = array<i32>} : memref<8192xi32, #tpu.memory_space<vmem>>, vector<16xi32>,
    } {sc.loop_unroll_factor = 4 : i64, sc.parallel_access}
    %dma_wait3A = tpu.memref_slice %arg2[%mul3A_2] : memref<524288xi32, #tpu.memory_space<hbm>> -> memref<16384xi32, #tpu.memory_space<hbm>>
    %dma_wait3A_38 = tpu.memref_slice %arg2[%mul3A_2] : memref<524288xi32, #tpu.memory_space<hbm>> -> memref<16384xi32, #tpu.memory_space<hbm>>
    tpu.wait_dma2 semaphore(%arg8 : memref<!tpu.dma_semaphore, #tpu.memory_space<semaphore_mem>>) src(%dma_wait3A_38 : memref<16384xi32, #tpu.memory_space<hbm>>) dst(%arg5 : memref<16384xi32, #tpu.memory_space<vmem>>)
    %iota3A = tpu.iota {dimensions = array<i32: 0>} : vector<16xi32>
    %mul3A_39 = arith.constant 4 : i32
    %mul3A_40 = vector.broadcast %mul3A_39 : i32 to vector<16xi32>
    %mul3A_41 = arith.muli %iota3A, %mul3A_40 : vector<16xi32>
    %parallel_loop3A_42 = arith.constant 0 : i32
    %parallel_loop3A_43 = arith.constant 512 : i32
    %parallel_loop3A_44 = arith.constant 1 : i32
    scf.for %parallel_loop3A_94 = %parallel_loop3A_42 to %parallel_loop3A_43 step %parallel_loop3A_44  : i32 {
      %parallel_loop3A_95 = arith.constant 6 : i32
      %parallel_loop3A_96 = arith.shrsi %parallel_loop3A_94, %parallel_loop3A_95 : i32
      %parallel_loop3A_97 = arith.constant 9 : i32
      %parallel_loop3A_98 = arith.shli %parallel_loop3A_96, %parallel_loop3A_97 : i32
      %parallel_loop3A_99 = arith.constant 7 : i32
      %parallel_loop3A_100 = arith.andi %parallel_loop3A_94, %parallel_loop3A_99 : i32
      %parallel_loop3A_101 = arith.constant 6 : i32
      %parallel_loop3A_102 = arith.shli %parallel_loop3A_100, %parallel_loop3A_101 : i32
      %parallel_loop3A_103 = arith.addi %parallel_loop3A_98, %parallel_loop3A_102 : i32
      %parallel_loop3A_104 = arith.constant 16 : i32
      %parallel_loop3A_105 = arith.muli %parallel_loop3A_94, %parallel_loop3A_104 : i32
      %parallel_loop3A_106 = arith.constant 0 : i32
      %parallel_loop3A_107 = arith.addi %parallel_loop3A_106, %parallel_loop3A_105 : i32
      %parallel_loop3A_108 = arith.index_cast %parallel_loop3A_107 : i32 to index
      %parallel_loop3A_109 = tpu.vector_load %arg5[%parallel_loop3A_108] {strides = array<i32>} : memref<16384xi32, #tpu.memory_space<vmem>>, vector<16xi32>,
      %parallel_loop3A_110 = arith.constant 1 : i32
      %parallel_loop3A_111 = vector.broadcast %parallel_loop3A_110 : i32 to vector<16xi32>
      %parallel_loop3A_112 = arith.subi %parallel_loop3A_109, %parallel_loop3A_111 : vector<16xi32>
      %parallel_loop3A_113 = arith.constant 7 : i32
      %parallel_loop3A_114 = vector.broadcast %parallel_loop3A_113 : i32 to vector<16xi32>
      %parallel_loop3A_115 = arith.andi %parallel_loop3A_112, %parallel_loop3A_114 : vector<16xi32>
      %parallel_loop3A_116 = arith.constant 2 : i32
      %parallel_loop3A_117 = vector.broadcast %parallel_loop3A_116 : i32 to vector<16xi32>
      %parallel_loop3A_118 = arith.shli %parallel_loop3A_115, %parallel_loop3A_117 : vector<16xi32>
      %parallel_loop3A_119 = arith.constant 1 : i32
      %parallel_loop3A_120 = vector.broadcast %parallel_loop3A_119 : i32 to vector<16xi32>
      %parallel_loop3A_121 = arith.shli %parallel_loop3A_120, %parallel_loop3A_118 : vector<16xi32>
      %parallel_loop3A_122 = arith.constant 3 : i32
      %parallel_loop3A_123 = vector.broadcast %parallel_loop3A_122 : i32 to vector<16xi32>
      %parallel_loop3A_124 = arith.shrsi %parallel_loop3A_112, %parallel_loop3A_123 : vector<16xi32>
      %parallel_loop3A_125 = arith.constant 0 : i32
      %parallel_loop3A_126 = arith.addi %parallel_loop3A_103, %parallel_loop3A_125 : i32
      %parallel_loop3A_127 = vector.broadcast %parallel_loop3A_126 : i32 to vector<16xi32>
      %parallel_loop3A_128 = arith.addi %mul3A_41, %parallel_loop3A_127 : vector<16xi32>
      %parallel_loop3A_129 = arith.addi %parallel_loop3A_124, %parallel_loop3A_128 : vector<16xi32>
      tpu.vector_store_idx %arg6[%parallel_loop3A_129], %parallel_loop3A_121 {add = true} : memref<8192xi32, #tpu.memory_space<vmem>>[vector<16xi32>], vector<16xi32>,
      %parallel_loop3A_130 = arith.constant 16 : i32
      %parallel_loop3A_131 = arith.muli %parallel_loop3A_94, %parallel_loop3A_130 : i32
      %parallel_loop3A_132 = arith.constant 8192 : i32
      %parallel_loop3A_133 = arith.addi %parallel_loop3A_132, %parallel_loop3A_131 : i32
      %parallel_loop3A_134 = arith.index_cast %parallel_loop3A_133 : i32 to index
      %parallel_loop3A_135 = tpu.vector_load %arg5[%parallel_loop3A_134] {strides = array<i32>} : memref<16384xi32, #tpu.memory_space<vmem>>, vector<16xi32>,
      %parallel_loop3A_136 = arith.constant 1 : i32
      %parallel_loop3A_137 = vector.broadcast %parallel_loop3A_136 : i32 to vector<16xi32>
      %parallel_loop3A_138 = arith.subi %parallel_loop3A_135, %parallel_loop3A_137 : vector<16xi32>
      %parallel_loop3A_139 = arith.constant 7 : i32
      %parallel_loop3A_140 = vector.broadcast %parallel_loop3A_139 : i32 to vector<16xi32>
      %parallel_loop3A_141 = arith.andi %parallel_loop3A_138, %parallel_loop3A_140 : vector<16xi32>
      %parallel_loop3A_142 = arith.constant 2 : i32
      %parallel_loop3A_143 = vector.broadcast %parallel_loop3A_142 : i32 to vector<16xi32>
      %parallel_loop3A_144 = arith.shli %parallel_loop3A_141, %parallel_loop3A_143 : vector<16xi32>
      %parallel_loop3A_145 = arith.constant 1 : i32
      %parallel_loop3A_146 = vector.broadcast %parallel_loop3A_145 : i32 to vector<16xi32>
      %parallel_loop3A_147 = arith.shli %parallel_loop3A_146, %parallel_loop3A_144 : vector<16xi32>
      %parallel_loop3A_148 = arith.constant 3 : i32
      %parallel_loop3A_149 = vector.broadcast %parallel_loop3A_148 : i32 to vector<16xi32>
      %parallel_loop3A_150 = arith.shrsi %parallel_loop3A_138, %parallel_loop3A_149 : vector<16xi32>
      %parallel_loop3A_151 = arith.constant 4096 : i32
      %parallel_loop3A_152 = arith.addi %parallel_loop3A_103, %parallel_loop3A_151 : i32
      %parallel_loop3A_153 = vector.broadcast %parallel_loop3A_152 : i32 to vector<16xi32>
      %parallel_loop3A_154 = arith.addi %mul3A_41, %parallel_loop3A_153 : vector<16xi32>
      %parallel_loop3A_155 = arith.addi %parallel_loop3A_150, %parallel_loop3A_154 : vector<16xi32>
      tpu.vector_store_idx %arg6[%parallel_loop3A_155], %parallel_loop3A_147 {add = true} : memref<8192xi32, #tpu.memory_space<vmem>>[vector<16xi32>], vector<16xi32>,
    } {sc.loop_unroll_factor = 8 : i64, sc.parallel_access}
    %mul3A_45 = arith.constant 8192 : i32
    %mul3A_46 = arith.muli %add3A, %mul3A_45 : i32
    %dma_start3A_47 = tpu.memref_slice %arg3[%mul3A_46] : memref<262144xi32, #tpu.memory_space<hbm>> -> memref<8192xi32, #tpu.memory_space<hbm>>
    %dma_start3A_48 = tpu.memref_slice %arg3[%mul3A_46] : memref<262144xi32, #tpu.memory_space<hbm>> -> memref<8192xi32, #tpu.memory_space<hbm>>
    tpu.enqueue_dma source(%arg6 : memref<8192xi32, #tpu.memory_space<vmem>>) target(%dma_start3A_48 : memref<8192xi32, #tpu.memory_space<hbm>>) target_semaphore(%arg8 : memref<!tpu.dma_semaphore, #tpu.memory_space<semaphore_mem>>)
    %iota3A_49 = tpu.iota {dimensions = array<i32: 0>} : vector<16xi32>
    %broadcast_in_dim3A_50 = arith.constant 0.000000e+00 : f32
    %broadcast_in_dim3A_51 = vector.broadcast %broadcast_in_dim3A_50 : f32 to vector<16xf32>
    %parallel_loop3A_52 = arith.constant 0 : i32
    %parallel_loop3A_53 = arith.constant 512 : i32
    %parallel_loop3A_54 = arith.constant 1 : i32
    %parallel_loop3A_55 = scf.for %parallel_loop3A_94 = %parallel_loop3A_52 to %parallel_loop3A_53 step %parallel_loop3A_54 iter_args(%parallel_loop3A_95 = %broadcast_in_dim3A_51) -> (vector<16xf32>)  : i32 {
      %parallel_loop3A_96 = arith.constant 6 : i32
      %parallel_loop3A_97 = arith.shrsi %parallel_loop3A_94, %parallel_loop3A_96 : i32
      %parallel_loop3A_98 = arith.constant 9 : i32
      %parallel_loop3A_99 = arith.shli %parallel_loop3A_97, %parallel_loop3A_98 : i32
      %parallel_loop3A_100 = arith.constant 7 : i32
      %parallel_loop3A_101 = arith.andi %parallel_loop3A_94, %parallel_loop3A_100 : i32
      %parallel_loop3A_102 = arith.constant 6 : i32
      %parallel_loop3A_103 = arith.shli %parallel_loop3A_101, %parallel_loop3A_102 : i32
      %parallel_loop3A_104 = arith.addi %parallel_loop3A_99, %parallel_loop3A_103 : i32
      %parallel_loop3A_105 = arith.constant 16 : i32
      %parallel_loop3A_106 = arith.muli %parallel_loop3A_94, %parallel_loop3A_105 : i32
      %parallel_loop3A_107 = arith.constant 0 : i32
      %parallel_loop3A_108 = arith.addi %parallel_loop3A_107, %parallel_loop3A_106 : i32
      %parallel_loop3A_109 = arith.index_cast %parallel_loop3A_108 : i32 to index
      %parallel_loop3A_110 = tpu.vector_load %arg5[%parallel_loop3A_109] {strides = array<i32>} : memref<16384xi32, #tpu.memory_space<vmem>>, vector<16xi32>,
      %parallel_loop3A_111 = arith.constant 1 : i32
      %parallel_loop3A_112 = vector.broadcast %parallel_loop3A_111 : i32 to vector<16xi32>
      %parallel_loop3A_113 = arith.subi %parallel_loop3A_110, %parallel_loop3A_112 : vector<16xi32>
      %parallel_loop3A_114 = arith.constant 3 : i32
      %parallel_loop3A_115 = vector.broadcast %parallel_loop3A_114 : i32 to vector<16xi32>
      %parallel_loop3A_116 = arith.shrsi %parallel_loop3A_113, %parallel_loop3A_115 : vector<16xi32>
      %parallel_loop3A_117 = arith.constant 0 : i32
      %parallel_loop3A_118 = arith.addi %parallel_loop3A_104, %parallel_loop3A_117 : i32
      %parallel_loop3A_119 = vector.broadcast %parallel_loop3A_118 : i32 to vector<16xi32>
      %parallel_loop3A_120 = arith.addi %mul3A_41, %parallel_loop3A_119 : vector<16xi32>
      %parallel_loop3A_121 = arith.addi %parallel_loop3A_116, %parallel_loop3A_120 : vector<16xi32>
      %parallel_loop3A_122 = tpu.vector_load_idx %arg6[%parallel_loop3A_121] : memref<8192xi32, #tpu.memory_space<vmem>>[vector<16xi32>], vector<16xi32>,
      %parallel_loop3A_123 = arith.constant 7 : i32
      %parallel_loop3A_124 = vector.broadcast %parallel_loop3A_123 : i32 to vector<16xi32>
      %parallel_loop3A_125 = arith.andi %parallel_loop3A_113, %parallel_loop3A_124 : vector<16xi32>
      %parallel_loop3A_126 = arith.constant 2 : i32
      %parallel_loop3A_127 = vector.broadcast %parallel_loop3A_126 : i32 to vector<16xi32>
      %parallel_loop3A_128 = arith.shli %parallel_loop3A_125, %parallel_loop3A_127 : vector<16xi32>
      %parallel_loop3A_129 = arith.shrsi %parallel_loop3A_122, %parallel_loop3A_128 : vector<16xi32>
      %parallel_loop3A_130 = arith.constant 15 : i32
      %parallel_loop3A_131 = vector.broadcast %parallel_loop3A_130 : i32 to vector<16xi32>
      %parallel_loop3A_132 = arith.andi %parallel_loop3A_129, %parallel_loop3A_131 : vector<16xi32>
      %parallel_loop3A_133 = arith.constant 4 : i32
      %parallel_loop3A_134 = vector.broadcast %parallel_loop3A_133 : i32 to vector<16xi32>
      %parallel_loop3A_135 = arith.shli %parallel_loop3A_132, %parallel_loop3A_134 : vector<16xi32>
      %parallel_loop3A_136 = arith.addi %parallel_loop3A_135, %iota3A_49 : vector<16xi32>
      %parallel_loop3A_137 = tpu.vector_load_idx %arg7[%parallel_loop3A_136] : memref<144xf32, #tpu.memory_space<vmem>>[vector<16xi32>], vector<16xf32>,
      %parallel_loop3A_138 = arith.addf %parallel_loop3A_95, %parallel_loop3A_137 : vector<16xf32>
      %parallel_loop3A_139 = arith.constant 16 : i32
      %parallel_loop3A_140 = arith.muli %parallel_loop3A_94, %parallel_loop3A_139 : i32
      %parallel_loop3A_141 = arith.constant 8192 : i32
      %parallel_loop3A_142 = arith.addi %parallel_loop3A_141, %parallel_loop3A_140 : i32
      %parallel_loop3A_143 = arith.index_cast %parallel_loop3A_142 : i32 to index
      %parallel_loop3A_144 = tpu.vector_load %arg5[%parallel_loop3A_143] {strides = array<i32>} : memref<16384xi32, #tpu.memory_space<vmem>>, vector<16xi32>,
      %parallel_loop3A_145 = arith.constant 1 : i32
      %parallel_loop3A_146 = vector.broadcast %parallel_loop3A_145 : i32 to vector<16xi32>
      %parallel_loop3A_147 = arith.subi %parallel_loop3A_144, %parallel_loop3A_146 : vector<16xi32>
      %parallel_loop3A_148 = arith.constant 3 : i32
      %parallel_loop3A_149 = vector.broadcast %parallel_loop3A_148 : i32 to vector<16xi32>
      %parallel_loop3A_150 = arith.shrsi %parallel_loop3A_147, %parallel_loop3A_149 : vector<16xi32>
      %parallel_loop3A_151 = arith.constant 4096 : i32
      %parallel_loop3A_152 = arith.addi %parallel_loop3A_104, %parallel_loop3A_151 : i32
      %parallel_loop3A_153 = vector.broadcast %parallel_loop3A_152 : i32 to vector<16xi32>
      %parallel_loop3A_154 = arith.addi %mul3A_41, %parallel_loop3A_153 : vector<16xi32>
      %parallel_loop3A_155 = arith.addi %parallel_loop3A_150, %parallel_loop3A_154 : vector<16xi32>
      %parallel_loop3A_156 = tpu.vector_load_idx %arg6[%parallel_loop3A_155] : memref<8192xi32, #tpu.memory_space<vmem>>[vector<16xi32>], vector<16xi32>,
      %parallel_loop3A_157 = arith.constant 7 : i32
      %parallel_loop3A_158 = vector.broadcast %parallel_loop3A_157 : i32 to vector<16xi32>
      %parallel_loop3A_159 = arith.andi %parallel_loop3A_147, %parallel_loop3A_158 : vector<16xi32>
      %parallel_loop3A_160 = arith.constant 2 : i32
      %parallel_loop3A_161 = vector.broadcast %parallel_loop3A_160 : i32 to vector<16xi32>
      %parallel_loop3A_162 = arith.shli %parallel_loop3A_159, %parallel_loop3A_161 : vector<16xi32>
      %parallel_loop3A_163 = arith.shrsi %parallel_loop3A_156, %parallel_loop3A_162 : vector<16xi32>
      %parallel_loop3A_164 = arith.constant 15 : i32
      %parallel_loop3A_165 = vector.broadcast %parallel_loop3A_164 : i32 to vector<16xi32>
      %parallel_loop3A_166 = arith.andi %parallel_loop3A_163, %parallel_loop3A_165 : vector<16xi32>
      %parallel_loop3A_167 = arith.constant 4 : i32
      %parallel_loop3A_168 = vector.broadcast %parallel_loop3A_167 : i32 to vector<16xi32>
      %parallel_loop3A_169 = arith.shli %parallel_loop3A_166, %parallel_loop3A_168 : vector<16xi32>
      %parallel_loop3A_170 = arith.addi %parallel_loop3A_169, %iota3A_49 : vector<16xi32>
      %parallel_loop3A_171 = tpu.vector_load_idx %arg7[%parallel_loop3A_170] : memref<144xf32, #tpu.memory_space<vmem>>[vector<16xi32>], vector<16xf32>,
      %parallel_loop3A_172 = arith.addf %parallel_loop3A_138, %parallel_loop3A_171 : vector<16xf32>
      scf.yield %parallel_loop3A_172 : vector<16xf32>
    } {sc.loop_unroll_factor = 4 : i64, sc.parallel_access}
    %swap3A_56 = arith.constant 0 : index
    %swap3A_57 = tpu.vector_load %arg7[%swap3A_56] {strides = array<i32>} : memref<144xf32, #tpu.memory_space<vmem>>, vector<16xf32>,
    tpu.vector_store %arg7[%swap3A_56], %parallel_loop3A_55 {strides = array<i32>} : memref<144xf32, #tpu.memory_space<vmem>>, vector<16xf32>,
    %mul3A_58 = arith.constant 16 : i32
    %mul3A_59 = arith.muli %add3A, %mul3A_58 : i32
    %dma_start3A_60 = arith.constant 0 : i32
    %dma_start3A_61 = tpu.memref_slice %arg7[%dma_start3A_60] : memref<144xf32, #tpu.memory_space<vmem>> -> memref<16xf32, #tpu.memory_space<vmem>>
    %dma_start3A_62 = tpu.memref_slice %arg4[%mul3A_59] : memref<1024xf32, #tpu.memory_space<hbm>> -> memref<16xf32, #tpu.memory_space<hbm>>
    %dma_start3A_63 = tpu.memref_slice %arg4[%mul3A_59] : memref<1024xf32, #tpu.memory_space<hbm>> -> memref<16xf32, #tpu.memory_space<hbm>>
    %dma_start3A_64 = arith.constant 0 : i32
    %dma_start3A_65 = tpu.memref_slice %arg7[%dma_start3A_64] : memref<144xf32, #tpu.memory_space<vmem>> -> memref<16xf32, #tpu.memory_space<vmem>>
    tpu.enqueue_dma source(%dma_start3A_65 : memref<16xf32, #tpu.memory_space<vmem>>) target(%dma_start3A_63 : memref<16xf32, #tpu.memory_space<hbm>>) target_semaphore(%arg9 : memref<!tpu.dma_semaphore, #tpu.memory_space<semaphore_mem>>)
    %dma_wait3A_66 = arith.constant 0 : i32
    %dma_wait3A_67 = tpu.memref_slice %arg7[%dma_wait3A_66] : memref<144xf32, #tpu.memory_space<vmem>> -> memref<16xf32, #tpu.memory_space<vmem>>
    %dma_wait3A_68 = tpu.memref_slice %arg4[%mul3A_59] : memref<1024xf32, #tpu.memory_space<hbm>> -> memref<16xf32, #tpu.memory_space<hbm>>
    %dma_wait3A_69 = tpu.memref_slice %arg4[%mul3A_59] : memref<1024xf32, #tpu.memory_space<hbm>> -> memref<16xf32, #tpu.memory_space<hbm>>
    %dma_wait3A_70 = arith.constant 0 : i32
    %dma_wait3A_71 = tpu.memref_slice %arg7[%dma_wait3A_70] : memref<144xf32, #tpu.memory_space<vmem>> -> memref<16xf32, #tpu.memory_space<vmem>>
    tpu.wait_dma2 semaphore(%arg9 : memref<!tpu.dma_semaphore, #tpu.memory_space<semaphore_mem>>) src(%dma_wait3A_71 : memref<16xf32, #tpu.memory_space<vmem>>) dst(%dma_wait3A_69 : memref<16xf32, #tpu.memory_space<hbm>>)
    %broadcast_in_dim3A_72 = arith.constant 0.000000e+00 : f32
    %broadcast_in_dim3A_73 = vector.broadcast %broadcast_in_dim3A_72 : f32 to vector<16xf32>
    %swap3A_74 = arith.constant 0 : index
    %swap3A_75 = tpu.vector_load %arg7[%swap3A_74] {strides = array<i32>} : memref<144xf32, #tpu.memory_space<vmem>>, vector<16xf32>,
    tpu.vector_store %arg7[%swap3A_74], %broadcast_in_dim3A_73 {strides = array<i32>} : memref<144xf32, #tpu.memory_space<vmem>>, vector<16xf32>,
    %add3A_76 = arith.constant 32 : i32
    %add3A_77 = arith.addi %add3A_76, %add3A : i32
    %mul3A_78 = arith.constant 16 : i32
    %mul3A_79 = arith.muli %add3A_77, %mul3A_78 : i32
    %dma_start3A_80 = arith.constant 0 : i32
    %dma_start3A_81 = tpu.memref_slice %arg7[%dma_start3A_80] : memref<144xf32, #tpu.memory_space<vmem>> -> memref<16xf32, #tpu.memory_space<vmem>>
    %dma_start3A_82 = tpu.memref_slice %arg4[%mul3A_79] : memref<1024xf32, #tpu.memory_space<hbm>> -> memref<16xf32, #tpu.memory_space<hbm>>
    %dma_start3A_83 = tpu.memref_slice %arg4[%mul3A_79] : memref<1024xf32, #tpu.memory_space<hbm>> -> memref<16xf32, #tpu.memory_space<hbm>>
    %dma_start3A_84 = arith.constant 0 : i32
    %dma_start3A_85 = tpu.memref_slice %arg7[%dma_start3A_84] : memref<144xf32, #tpu.memory_space<vmem>> -> memref<16xf32, #tpu.memory_space<vmem>>
    tpu.enqueue_dma source(%dma_start3A_85 : memref<16xf32, #tpu.memory_space<vmem>>) target(%dma_start3A_83 : memref<16xf32, #tpu.memory_space<hbm>>) target_semaphore(%arg9 : memref<!tpu.dma_semaphore, #tpu.memory_space<semaphore_mem>>)
    %dma_wait3A_86 = tpu.memref_slice %arg3[%mul3A_46] : memref<262144xi32, #tpu.memory_space<hbm>> -> memref<8192xi32, #tpu.memory_space<hbm>>
    %dma_wait3A_87 = tpu.memref_slice %arg3[%mul3A_46] : memref<262144xi32, #tpu.memory_space<hbm>> -> memref<8192xi32, #tpu.memory_space<hbm>>
    tpu.wait_dma2 semaphore(%arg8 : memref<!tpu.dma_semaphore, #tpu.memory_space<semaphore_mem>>) src(%arg6 : memref<8192xi32, #tpu.memory_space<vmem>>) dst(%dma_wait3A_87 : memref<8192xi32, #tpu.memory_space<hbm>>)
    %dma_wait3A_88 = arith.constant 0 : i32
    %dma_wait3A_89 = tpu.memref_slice %arg7[%dma_wait3A_88] : memref<144xf32, #tpu.memory_space<vmem>> -> memref<16xf32, #tpu.memory_space<vmem>>
    %dma_wait3A_90 = tpu.memref_slice %arg4[%mul3A_79] : memref<1024xf32, #tpu.memory_space<hbm>> -> memref<16xf32, #tpu.memory_space<hbm>>
    %dma_wait3A_91 = tpu.memref_slice %arg4[%mul3A_79] : memref<1024xf32, #tpu.memory_space<hbm>> -> memref<16xf32, #tpu.memory_space<hbm>>
    %dma_wait3A_92 = arith.constant 0 : i32
    %dma_wait3A_93 = tpu.memref_slice %arg7[%dma_wait3A_92] : memref<144xf32, #tpu.memory_space<vmem>> -> memref<16xf32, #tpu.memory_space<vmem>>
    tpu.wait_dma2 semaphore(%arg9 : memref<!tpu.dma_semaphore, #tpu.memory_space<semaphore_mem>>) src(%dma_wait3A_93 : memref<16xf32, #tpu.memory_space<vmem>>) dst(%dma_wait3A_91 : memref<16xf32, #tpu.memory_space<hbm>>)
    return
  }
}

module attributes {stable_mosaic.version = 14 : i64} {
  func.func @_tc_reduce_body(%arg0: memref<64x32x128xi32, #tpu.memory_space<vmem>>, %arg1: memref<8x128xf32, #tpu.memory_space<vmem>>, %arg2: memref<1x1xf32, #tpu.memory_space<smem>>) attributes {dimension_semantics = [], scalar_prefetch = 0 : i64, scratch_operands = 0 : i64, tpu.core_type = #tpu.core_type<tc>} {
    %get3A = arith.constant 0 : index
    %get3A_0 = arith.constant 0 : index
    %get3A_1 = arith.constant 0 : index
    %get3A_2 = vector.load %arg0[%get3A, %get3A_0, %get3A_1] : memref<64x32x128xi32, #tpu.memory_space<vmem>>, vector<64x32x128xi32>
    %shift_right_arithmetic3A = arith.constant 0 : i32
    %shift_right_arithmetic3A_3 = vector.broadcast %shift_right_arithmetic3A : i32 to vector<64x32x128xi32>
    %shift_right_arithmetic3A_4 = arith.shrsi %get3A_2, %shift_right_arithmetic3A_3 : vector<64x32x128xi32>
    %and3A = arith.constant 15 : i32
    %and3A_5 = vector.broadcast %and3A : i32 to vector<64x32x128xi32>
    %and3A_6 = arith.andi %shift_right_arithmetic3A_4, %and3A_5 : vector<64x32x128xi32>
    %convert_element_type3A = arith.sitofp %and3A_6 : vector<64x32x128xi32> to vector<64x32x128xf32>
    %reduce_sum3A = arith.constant dense<0.000000e+00> : vector<32x128xf32>
    %reduce_sum3A_7 = vector.multi_reduction <add>, %convert_element_type3A, %reduce_sum3A [0] : vector<64x32x128xf32> to vector<32x128xf32>
    %mul3A = arith.mulf %convert_element_type3A, %convert_element_type3A : vector<64x32x128xf32>
    %reduce_sum3A_8 = arith.constant dense<0.000000e+00> : vector<32x128xf32>
    %reduce_sum3A_9 = vector.multi_reduction <add>, %mul3A, %reduce_sum3A_8 [0] : vector<64x32x128xf32> to vector<32x128xf32>
    %mul3A_10 = arith.mulf %reduce_sum3A_7, %reduce_sum3A_7 : vector<32x128xf32>
    %mul3A_11 = arith.constant 1.562500e-02 : f32
    %mul3A_12 = vector.broadcast %mul3A_11 : f32 to vector<32x128xf32>
    %mul3A_13 = arith.mulf %mul3A_10, %mul3A_12 : vector<32x128xf32>
    %sub3A = arith.subf %reduce_sum3A_9, %mul3A_13 : vector<32x128xf32>
    %max3A = arith.constant 0.000000e+00 : f32
    %max3A_14 = vector.broadcast %max3A : f32 to vector<32x128xf32>
    %max3A_15 = arith.maximumf %sub3A, %max3A_14 : vector<32x128xf32>
    %sqrt3A = math.sqrt %max3A_15 : vector<32x128xf32>
    %reduce_sum3A_16 = vector.shape_cast %sqrt3A : vector<32x128xf32> to vector<1x32x128xf32>
    %reduce_sum3A_17 = arith.constant dense<0.000000e+00> : vector<1xf32>
    %reduce_sum3A_18 = vector.multi_reduction <add>, %reduce_sum3A_16, %reduce_sum3A_17 [1, 2] : vector<1x32x128xf32> to vector<1xf32>
    %reduce_sum3A_19 = vector.shape_cast %reduce_sum3A_18 : vector<1xf32> to vector<1x1x1xf32>
    %reduce_sum3A_20 = vector.extract %reduce_sum3A_19[0, 0, 0] : f32 from vector<1x1x1xf32>
    %add3A = arith.constant 0.000000e+00 : f32
    %add3A_21 = arith.addf %add3A, %reduce_sum3A_20 : f32
    %shift_right_arithmetic3A_22 = arith.constant 4 : i32
    %shift_right_arithmetic3A_23 = vector.broadcast %shift_right_arithmetic3A_22 : i32 to vector<64x32x128xi32>
    %shift_right_arithmetic3A_24 = arith.shrsi %get3A_2, %shift_right_arithmetic3A_23 : vector<64x32x128xi32>
    %and3A_25 = arith.constant 15 : i32
    %and3A_26 = vector.broadcast %and3A_25 : i32 to vector<64x32x128xi32>
    %and3A_27 = arith.andi %shift_right_arithmetic3A_24, %and3A_26 : vector<64x32x128xi32>
    %convert_element_type3A_28 = arith.sitofp %and3A_27 : vector<64x32x128xi32> to vector<64x32x128xf32>
    %reduce_sum3A_29 = arith.constant dense<0.000000e+00> : vector<32x128xf32>
    %reduce_sum3A_30 = vector.multi_reduction <add>, %convert_element_type3A_28, %reduce_sum3A_29 [0] : vector<64x32x128xf32> to vector<32x128xf32>
    %mul3A_31 = arith.mulf %convert_element_type3A_28, %convert_element_type3A_28 : vector<64x32x128xf32>
    %reduce_sum3A_32 = arith.constant dense<0.000000e+00> : vector<32x128xf32>
    %reduce_sum3A_33 = vector.multi_reduction <add>, %mul3A_31, %reduce_sum3A_32 [0] : vector<64x32x128xf32> to vector<32x128xf32>
    %mul3A_34 = arith.mulf %reduce_sum3A_30, %reduce_sum3A_30 : vector<32x128xf32>
    %mul3A_35 = arith.constant 1.562500e-02 : f32
    %mul3A_36 = vector.broadcast %mul3A_35 : f32 to vector<32x128xf32>
    %mul3A_37 = arith.mulf %mul3A_34, %mul3A_36 : vector<32x128xf32>
    %sub3A_38 = arith.subf %reduce_sum3A_33, %mul3A_37 : vector<32x128xf32>
    %max3A_39 = arith.constant 0.000000e+00 : f32
    %max3A_40 = vector.broadcast %max3A_39 : f32 to vector<32x128xf32>
    %max3A_41 = arith.maximumf %sub3A_38, %max3A_40 : vector<32x128xf32>
    %sqrt3A_42 = math.sqrt %max3A_41 : vector<32x128xf32>
    %reduce_sum3A_43 = vector.shape_cast %sqrt3A_42 : vector<32x128xf32> to vector<1x32x128xf32>
    %reduce_sum3A_44 = arith.constant dense<0.000000e+00> : vector<1xf32>
    %reduce_sum3A_45 = vector.multi_reduction <add>, %reduce_sum3A_43, %reduce_sum3A_44 [1, 2] : vector<1x32x128xf32> to vector<1xf32>
    %reduce_sum3A_46 = vector.shape_cast %reduce_sum3A_45 : vector<1xf32> to vector<1x1x1xf32>
    %reduce_sum3A_47 = vector.extract %reduce_sum3A_46[0, 0, 0] : f32 from vector<1x1x1xf32>
    %add3A_48 = arith.addf %add3A_21, %reduce_sum3A_47 : f32
    %shift_right_arithmetic3A_49 = arith.constant 8 : i32
    %shift_right_arithmetic3A_50 = vector.broadcast %shift_right_arithmetic3A_49 : i32 to vector<64x32x128xi32>
    %shift_right_arithmetic3A_51 = arith.shrsi %get3A_2, %shift_right_arithmetic3A_50 : vector<64x32x128xi32>
    %and3A_52 = arith.constant 15 : i32
    %and3A_53 = vector.broadcast %and3A_52 : i32 to vector<64x32x128xi32>
    %and3A_54 = arith.andi %shift_right_arithmetic3A_51, %and3A_53 : vector<64x32x128xi32>
    %convert_element_type3A_55 = arith.sitofp %and3A_54 : vector<64x32x128xi32> to vector<64x32x128xf32>
    %reduce_sum3A_56 = arith.constant dense<0.000000e+00> : vector<32x128xf32>
    %reduce_sum3A_57 = vector.multi_reduction <add>, %convert_element_type3A_55, %reduce_sum3A_56 [0] : vector<64x32x128xf32> to vector<32x128xf32>
    %mul3A_58 = arith.mulf %convert_element_type3A_55, %convert_element_type3A_55 : vector<64x32x128xf32>
    %reduce_sum3A_59 = arith.constant dense<0.000000e+00> : vector<32x128xf32>
    %reduce_sum3A_60 = vector.multi_reduction <add>, %mul3A_58, %reduce_sum3A_59 [0] : vector<64x32x128xf32> to vector<32x128xf32>
    %mul3A_61 = arith.mulf %reduce_sum3A_57, %reduce_sum3A_57 : vector<32x128xf32>
    %mul3A_62 = arith.constant 1.562500e-02 : f32
    %mul3A_63 = vector.broadcast %mul3A_62 : f32 to vector<32x128xf32>
    %mul3A_64 = arith.mulf %mul3A_61, %mul3A_63 : vector<32x128xf32>
    %sub3A_65 = arith.subf %reduce_sum3A_60, %mul3A_64 : vector<32x128xf32>
    %max3A_66 = arith.constant 0.000000e+00 : f32
    %max3A_67 = vector.broadcast %max3A_66 : f32 to vector<32x128xf32>
    %max3A_68 = arith.maximumf %sub3A_65, %max3A_67 : vector<32x128xf32>
    %sqrt3A_69 = math.sqrt %max3A_68 : vector<32x128xf32>
    %reduce_sum3A_70 = vector.shape_cast %sqrt3A_69 : vector<32x128xf32> to vector<1x32x128xf32>
    %reduce_sum3A_71 = arith.constant dense<0.000000e+00> : vector<1xf32>
    %reduce_sum3A_72 = vector.multi_reduction <add>, %reduce_sum3A_70, %reduce_sum3A_71 [1, 2] : vector<1x32x128xf32> to vector<1xf32>
    %reduce_sum3A_73 = vector.shape_cast %reduce_sum3A_72 : vector<1xf32> to vector<1x1x1xf32>
    %reduce_sum3A_74 = vector.extract %reduce_sum3A_73[0, 0, 0] : f32 from vector<1x1x1xf32>
    %add3A_75 = arith.addf %add3A_48, %reduce_sum3A_74 : f32
    %shift_right_arithmetic3A_76 = arith.constant 12 : i32
    %shift_right_arithmetic3A_77 = vector.broadcast %shift_right_arithmetic3A_76 : i32 to vector<64x32x128xi32>
    %shift_right_arithmetic3A_78 = arith.shrsi %get3A_2, %shift_right_arithmetic3A_77 : vector<64x32x128xi32>
    %and3A_79 = arith.constant 15 : i32
    %and3A_80 = vector.broadcast %and3A_79 : i32 to vector<64x32x128xi32>
    %and3A_81 = arith.andi %shift_right_arithmetic3A_78, %and3A_80 : vector<64x32x128xi32>
    %convert_element_type3A_82 = arith.sitofp %and3A_81 : vector<64x32x128xi32> to vector<64x32x128xf32>
    %reduce_sum3A_83 = arith.constant dense<0.000000e+00> : vector<32x128xf32>
    %reduce_sum3A_84 = vector.multi_reduction <add>, %convert_element_type3A_82, %reduce_sum3A_83 [0] : vector<64x32x128xf32> to vector<32x128xf32>
    %mul3A_85 = arith.mulf %convert_element_type3A_82, %convert_element_type3A_82 : vector<64x32x128xf32>
    %reduce_sum3A_86 = arith.constant dense<0.000000e+00> : vector<32x128xf32>
    %reduce_sum3A_87 = vector.multi_reduction <add>, %mul3A_85, %reduce_sum3A_86 [0] : vector<64x32x128xf32> to vector<32x128xf32>
    %mul3A_88 = arith.mulf %reduce_sum3A_84, %reduce_sum3A_84 : vector<32x128xf32>
    %mul3A_89 = arith.constant 1.562500e-02 : f32
    %mul3A_90 = vector.broadcast %mul3A_89 : f32 to vector<32x128xf32>
    %mul3A_91 = arith.mulf %mul3A_88, %mul3A_90 : vector<32x128xf32>
    %sub3A_92 = arith.subf %reduce_sum3A_87, %mul3A_91 : vector<32x128xf32>
    %max3A_93 = arith.constant 0.000000e+00 : f32
    %max3A_94 = vector.broadcast %max3A_93 : f32 to vector<32x128xf32>
    %max3A_95 = arith.maximumf %sub3A_92, %max3A_94 : vector<32x128xf32>
    %sqrt3A_96 = math.sqrt %max3A_95 : vector<32x128xf32>
    %reduce_sum3A_97 = vector.shape_cast %sqrt3A_96 : vector<32x128xf32> to vector<1x32x128xf32>
    %reduce_sum3A_98 = arith.constant dense<0.000000e+00> : vector<1xf32>
    %reduce_sum3A_99 = vector.multi_reduction <add>, %reduce_sum3A_97, %reduce_sum3A_98 [1, 2] : vector<1x32x128xf32> to vector<1xf32>
    %reduce_sum3A_100 = vector.shape_cast %reduce_sum3A_99 : vector<1xf32> to vector<1x1x1xf32>
    %reduce_sum3A_101 = vector.extract %reduce_sum3A_100[0, 0, 0] : f32 from vector<1x1x1xf32>
    %add3A_102 = arith.addf %add3A_75, %reduce_sum3A_101 : f32
    %shift_right_arithmetic3A_103 = arith.constant 16 : i32
    %shift_right_arithmetic3A_104 = vector.broadcast %shift_right_arithmetic3A_103 : i32 to vector<64x32x128xi32>
    %shift_right_arithmetic3A_105 = arith.shrsi %get3A_2, %shift_right_arithmetic3A_104 : vector<64x32x128xi32>
    %and3A_106 = arith.constant 15 : i32
    %and3A_107 = vector.broadcast %and3A_106 : i32 to vector<64x32x128xi32>
    %and3A_108 = arith.andi %shift_right_arithmetic3A_105, %and3A_107 : vector<64x32x128xi32>
    %convert_element_type3A_109 = arith.sitofp %and3A_108 : vector<64x32x128xi32> to vector<64x32x128xf32>
    %reduce_sum3A_110 = arith.constant dense<0.000000e+00> : vector<32x128xf32>
    %reduce_sum3A_111 = vector.multi_reduction <add>, %convert_element_type3A_109, %reduce_sum3A_110 [0] : vector<64x32x128xf32> to vector<32x128xf32>
    %mul3A_112 = arith.mulf %convert_element_type3A_109, %convert_element_type3A_109 : vector<64x32x128xf32>
    %reduce_sum3A_113 = arith.constant dense<0.000000e+00> : vector<32x128xf32>
    %reduce_sum3A_114 = vector.multi_reduction <add>, %mul3A_112, %reduce_sum3A_113 [0] : vector<64x32x128xf32> to vector<32x128xf32>
    %mul3A_115 = arith.mulf %reduce_sum3A_111, %reduce_sum3A_111 : vector<32x128xf32>
    %mul3A_116 = arith.constant 1.562500e-02 : f32
    %mul3A_117 = vector.broadcast %mul3A_116 : f32 to vector<32x128xf32>
    %mul3A_118 = arith.mulf %mul3A_115, %mul3A_117 : vector<32x128xf32>
    %sub3A_119 = arith.subf %reduce_sum3A_114, %mul3A_118 : vector<32x128xf32>
    %max3A_120 = arith.constant 0.000000e+00 : f32
    %max3A_121 = vector.broadcast %max3A_120 : f32 to vector<32x128xf32>
    %max3A_122 = arith.maximumf %sub3A_119, %max3A_121 : vector<32x128xf32>
    %sqrt3A_123 = math.sqrt %max3A_122 : vector<32x128xf32>
    %reduce_sum3A_124 = vector.shape_cast %sqrt3A_123 : vector<32x128xf32> to vector<1x32x128xf32>
    %reduce_sum3A_125 = arith.constant dense<0.000000e+00> : vector<1xf32>
    %reduce_sum3A_126 = vector.multi_reduction <add>, %reduce_sum3A_124, %reduce_sum3A_125 [1, 2] : vector<1x32x128xf32> to vector<1xf32>
    %reduce_sum3A_127 = vector.shape_cast %reduce_sum3A_126 : vector<1xf32> to vector<1x1x1xf32>
    %reduce_sum3A_128 = vector.extract %reduce_sum3A_127[0, 0, 0] : f32 from vector<1x1x1xf32>
    %add3A_129 = arith.addf %add3A_102, %reduce_sum3A_128 : f32
    %shift_right_arithmetic3A_130 = arith.constant 20 : i32
    %shift_right_arithmetic3A_131 = vector.broadcast %shift_right_arithmetic3A_130 : i32 to vector<64x32x128xi32>
    %shift_right_arithmetic3A_132 = arith.shrsi %get3A_2, %shift_right_arithmetic3A_131 : vector<64x32x128xi32>
    %and3A_133 = arith.constant 15 : i32
    %and3A_134 = vector.broadcast %and3A_133 : i32 to vector<64x32x128xi32>
    %and3A_135 = arith.andi %shift_right_arithmetic3A_132, %and3A_134 : vector<64x32x128xi32>
    %convert_element_type3A_136 = arith.sitofp %and3A_135 : vector<64x32x128xi32> to vector<64x32x128xf32>
    %reduce_sum3A_137 = arith.constant dense<0.000000e+00> : vector<32x128xf32>
    %reduce_sum3A_138 = vector.multi_reduction <add>, %convert_element_type3A_136, %reduce_sum3A_137 [0] : vector<64x32x128xf32> to vector<32x128xf32>
    %mul3A_139 = arith.mulf %convert_element_type3A_136, %convert_element_type3A_136 : vector<64x32x128xf32>
    %reduce_sum3A_140 = arith.constant dense<0.000000e+00> : vector<32x128xf32>
    %reduce_sum3A_141 = vector.multi_reduction <add>, %mul3A_139, %reduce_sum3A_140 [0] : vector<64x32x128xf32> to vector<32x128xf32>
    %mul3A_142 = arith.mulf %reduce_sum3A_138, %reduce_sum3A_138 : vector<32x128xf32>
    %mul3A_143 = arith.constant 1.562500e-02 : f32
    %mul3A_144 = vector.broadcast %mul3A_143 : f32 to vector<32x128xf32>
    %mul3A_145 = arith.mulf %mul3A_142, %mul3A_144 : vector<32x128xf32>
    %sub3A_146 = arith.subf %reduce_sum3A_141, %mul3A_145 : vector<32x128xf32>
    %max3A_147 = arith.constant 0.000000e+00 : f32
    %max3A_148 = vector.broadcast %max3A_147 : f32 to vector<32x128xf32>
    %max3A_149 = arith.maximumf %sub3A_146, %max3A_148 : vector<32x128xf32>
    %sqrt3A_150 = math.sqrt %max3A_149 : vector<32x128xf32>
    %reduce_sum3A_151 = vector.shape_cast %sqrt3A_150 : vector<32x128xf32> to vector<1x32x128xf32>
    %reduce_sum3A_152 = arith.constant dense<0.000000e+00> : vector<1xf32>
    %reduce_sum3A_153 = vector.multi_reduction <add>, %reduce_sum3A_151, %reduce_sum3A_152 [1, 2] : vector<1x32x128xf32> to vector<1xf32>
    %reduce_sum3A_154 = vector.shape_cast %reduce_sum3A_153 : vector<1xf32> to vector<1x1x1xf32>
    %reduce_sum3A_155 = vector.extract %reduce_sum3A_154[0, 0, 0] : f32 from vector<1x1x1xf32>
    %add3A_156 = arith.addf %add3A_129, %reduce_sum3A_155 : f32
    %shift_right_arithmetic3A_157 = arith.constant 24 : i32
    %shift_right_arithmetic3A_158 = vector.broadcast %shift_right_arithmetic3A_157 : i32 to vector<64x32x128xi32>
    %shift_right_arithmetic3A_159 = arith.shrsi %get3A_2, %shift_right_arithmetic3A_158 : vector<64x32x128xi32>
    %and3A_160 = arith.constant 15 : i32
    %and3A_161 = vector.broadcast %and3A_160 : i32 to vector<64x32x128xi32>
    %and3A_162 = arith.andi %shift_right_arithmetic3A_159, %and3A_161 : vector<64x32x128xi32>
    %convert_element_type3A_163 = arith.sitofp %and3A_162 : vector<64x32x128xi32> to vector<64x32x128xf32>
    %reduce_sum3A_164 = arith.constant dense<0.000000e+00> : vector<32x128xf32>
    %reduce_sum3A_165 = vector.multi_reduction <add>, %convert_element_type3A_163, %reduce_sum3A_164 [0] : vector<64x32x128xf32> to vector<32x128xf32>
    %mul3A_166 = arith.mulf %convert_element_type3A_163, %convert_element_type3A_163 : vector<64x32x128xf32>
    %reduce_sum3A_167 = arith.constant dense<0.000000e+00> : vector<32x128xf32>
    %reduce_sum3A_168 = vector.multi_reduction <add>, %mul3A_166, %reduce_sum3A_167 [0] : vector<64x32x128xf32> to vector<32x128xf32>
    %mul3A_169 = arith.mulf %reduce_sum3A_165, %reduce_sum3A_165 : vector<32x128xf32>
    %mul3A_170 = arith.constant 1.562500e-02 : f32
    %mul3A_171 = vector.broadcast %mul3A_170 : f32 to vector<32x128xf32>
    %mul3A_172 = arith.mulf %mul3A_169, %mul3A_171 : vector<32x128xf32>
    %sub3A_173 = arith.subf %reduce_sum3A_168, %mul3A_172 : vector<32x128xf32>
    %max3A_174 = arith.constant 0.000000e+00 : f32
    %max3A_175 = vector.broadcast %max3A_174 : f32 to vector<32x128xf32>
    %max3A_176 = arith.maximumf %sub3A_173, %max3A_175 : vector<32x128xf32>
    %sqrt3A_177 = math.sqrt %max3A_176 : vector<32x128xf32>
    %reduce_sum3A_178 = vector.shape_cast %sqrt3A_177 : vector<32x128xf32> to vector<1x32x128xf32>
    %reduce_sum3A_179 = arith.constant dense<0.000000e+00> : vector<1xf32>
    %reduce_sum3A_180 = vector.multi_reduction <add>, %reduce_sum3A_178, %reduce_sum3A_179 [1, 2] : vector<1x32x128xf32> to vector<1xf32>
    %reduce_sum3A_181 = vector.shape_cast %reduce_sum3A_180 : vector<1xf32> to vector<1x1x1xf32>
    %reduce_sum3A_182 = vector.extract %reduce_sum3A_181[0, 0, 0] : f32 from vector<1x1x1xf32>
    %add3A_183 = arith.addf %add3A_156, %reduce_sum3A_182 : f32
    %shift_right_arithmetic3A_184 = arith.constant 28 : i32
    %shift_right_arithmetic3A_185 = vector.broadcast %shift_right_arithmetic3A_184 : i32 to vector<64x32x128xi32>
    %shift_right_arithmetic3A_186 = arith.shrsi %get3A_2, %shift_right_arithmetic3A_185 : vector<64x32x128xi32>
    %and3A_187 = arith.constant 15 : i32
    %and3A_188 = vector.broadcast %and3A_187 : i32 to vector<64x32x128xi32>
    %and3A_189 = arith.andi %shift_right_arithmetic3A_186, %and3A_188 : vector<64x32x128xi32>
    %convert_element_type3A_190 = arith.sitofp %and3A_189 : vector<64x32x128xi32> to vector<64x32x128xf32>
    %reduce_sum3A_191 = arith.constant dense<0.000000e+00> : vector<32x128xf32>
    %reduce_sum3A_192 = vector.multi_reduction <add>, %convert_element_type3A_190, %reduce_sum3A_191 [0] : vector<64x32x128xf32> to vector<32x128xf32>
    %mul3A_193 = arith.mulf %convert_element_type3A_190, %convert_element_type3A_190 : vector<64x32x128xf32>
    %reduce_sum3A_194 = arith.constant dense<0.000000e+00> : vector<32x128xf32>
    %reduce_sum3A_195 = vector.multi_reduction <add>, %mul3A_193, %reduce_sum3A_194 [0] : vector<64x32x128xf32> to vector<32x128xf32>
    %mul3A_196 = arith.mulf %reduce_sum3A_192, %reduce_sum3A_192 : vector<32x128xf32>
    %mul3A_197 = arith.constant 1.562500e-02 : f32
    %mul3A_198 = vector.broadcast %mul3A_197 : f32 to vector<32x128xf32>
    %mul3A_199 = arith.mulf %mul3A_196, %mul3A_198 : vector<32x128xf32>
    %sub3A_200 = arith.subf %reduce_sum3A_195, %mul3A_199 : vector<32x128xf32>
    %max3A_201 = arith.constant 0.000000e+00 : f32
    %max3A_202 = vector.broadcast %max3A_201 : f32 to vector<32x128xf32>
    %max3A_203 = arith.maximumf %sub3A_200, %max3A_202 : vector<32x128xf32>
    %sqrt3A_204 = math.sqrt %max3A_203 : vector<32x128xf32>
    %reduce_sum3A_205 = vector.shape_cast %sqrt3A_204 : vector<32x128xf32> to vector<1x32x128xf32>
    %reduce_sum3A_206 = arith.constant dense<0.000000e+00> : vector<1xf32>
    %reduce_sum3A_207 = vector.multi_reduction <add>, %reduce_sum3A_205, %reduce_sum3A_206 [1, 2] : vector<1x32x128xf32> to vector<1xf32>
    %reduce_sum3A_208 = vector.shape_cast %reduce_sum3A_207 : vector<1xf32> to vector<1x1x1xf32>
    %reduce_sum3A_209 = vector.extract %reduce_sum3A_208[0, 0, 0] : f32 from vector<1x1x1xf32>
    %add3A_210 = arith.addf %add3A_183, %reduce_sum3A_209 : f32
    %get3A_211 = arith.constant 0 : index
    %get3A_212 = arith.constant 0 : index
    %get3A_213 = vector.load %arg1[%get3A_211, %get3A_212] : memref<8x128xf32, #tpu.memory_space<vmem>>, vector<8x128xf32>
    %reduce_sum3A_214 = vector.shape_cast %get3A_213 : vector<8x128xf32> to vector<1x8x128xf32>
    %reduce_sum3A_215 = arith.constant dense<0.000000e+00> : vector<1xf32>
    %reduce_sum3A_216 = vector.multi_reduction <add>, %reduce_sum3A_214, %reduce_sum3A_215 [1, 2] : vector<1x8x128xf32> to vector<1xf32>
    %reduce_sum3A_217 = vector.shape_cast %reduce_sum3A_216 : vector<1xf32> to vector<1x1x1xf32>
    %reduce_sum3A_218 = vector.extract %reduce_sum3A_217[0, 0, 0] : f32 from vector<1x1x1xf32>
    %div3A = arith.constant 63.4980316 : f32
    %div3A_219 = arith.divf %div3A, %add3A_210 : f32
    %mul3A_220 = arith.constant 0.00208797841 : f32
    %mul3A_221 = arith.mulf %reduce_sum3A_218, %mul3A_220 : f32
    %add3A_222 = arith.addf %div3A_219, %mul3A_221 : f32
    %swap3A = arith.constant 0 : index
    %swap3A_223 = arith.constant 0 : index
    %swap3A_224 = memref.load %arg2[%swap3A, %swap3A_223] : memref<1x1xf32, #tpu.memory_space<smem>>
    memref.store %add3A_222, %arg2[%swap3A, %swap3A_223] : memref<1x1xf32, #tpu.memory_space<smem>>
    return
  }
}

</mosaic_0001>

<sc_bundles>
// kernel: kernel.4.cloned.1.call-start
scs
__scs_entry_jumppad:
0x0: {  	(pc) =	sbr.rel $0x88, $3  }
0x1: {  	(tag) =	ssettag $0x0;
	lr =	simm.s32 $0x1  }
0x2: {  	[smem:$0x3FA0] =	sst lr;
	_ =	strace $0xD0000000  }
0x3: {  	_ = 	snop  }
0x4: {  	_ = 	snop  }
0x5: {  	_ = 	snop  }
0x6: {  	_ = 	snop  }
0x7: {  	_ = 	snop  }
__scs_overlays_trampoline_lowered:
0x8: {  	[smem:$0x3FAF] =	sst s0  }
0x9: {  	[smem:$0x3FB0] =	sst s1  }
0xa: {  	[smem:$0x3FB1] =	sst s2  }
0xb: {  	[smem:$0x3FB2] =	sst s3  }
0xc: {  	[smem:$0x3FB3] =	sst s4  }
0xd: {  	[smem:$0x3FB4] =	sst s5  }
0xe: {  	[smem:$0x3FB5] =	sst s6  }
0xf: {  	[smem:$0x3FB6] =	sst s7  }
0x10: {  	[smem:$0x3FB7] =	sst s8  }
0x11: {  	[smem:$0x3FB8] =	sst s9;
	s0 =	simm.s32 @!p0 $0x0  }
0x12: {  	s1 =	sld [smem:$0x3F9E];
	s0 =	simm.s32 @p0 $0x1  }
0x13: {  	[smem:$0x3FB9] =	sst s0;
	s0 =	simm.s32 @!p1 $0x0  }
0x14: {  	s2 =	sld [smem:$0x3F9D];
	s0 =	simm.s32 @p1 $0x1  }
0x15: {  	[smem:$0x3FBA] =	sst s0;
	s0 =	simm.s32 @!p2 $0x0  }
0x16: {  	s3 =	sld [smem:$0x3FDB];
	s0 =	simm.s32 @p2 $0x1  }
0x17: {  	s4 =	simm.s32 $0x1BF5;
	[smem:$0x3FBC] =	sst s0  }
0x18: {  	s0 =	sld [smem:$0x3F9F];
	_ =	swait.ge [sflag:s4], $0x0  }
0x19: {  	s7 =	sld [smem:$0x3FA0]  }
0x1a: {  	s8 =	sadd.s32 $0xFFFFE003, lr  }
0x1b: {  	s9 =	sadd.s32 $0xFFFFFEF7, lr;
	s5 =	simm.s32 $0xFFFFFFFF;
	p2 =	slt.u32 s8, $0xFFFFF086  }
0x1c: {  	p1 =	slt.u32 s9, $0xF7A;
	s5 =	simm.s32 @!p2 $0x0  }
0x1d: {  	s5 =	simm.s32 @p1 $0x1;
	p0 =	seq.s32 s7, s2  }
0x1e: {  	s7 =	smul.u32 @!p0 $0xF7A, s2;
	p2 =	seq.s32 @!p0 s5, $0x0  }
0x1f: {  	s9 =	smul.u32 $0xF7A, s1;
	s8 =	simm.s32 @!p0 $0x1BF5;
	p2 =	por !p2, p0  }
0x20: {  	[sflag:s8] =	ssyncset.s32 @!p0 $0xFFFFF086;
	s6 =	sadd.s32 @!p0 s3, s7;
	s7 =	simm.s32 @!p0 $0x108  }
0x21: {  	s3 =	sadd.s32 s3, s9;
	s6 =	sadd.s32 @!p0 $0x88, s6;
	s7 =	simm.s32 @p2 $0x1082  }
0x22: {  	[simem:s7], [sflag:s8] =	dma.local @!p0 [hbm:s6], $0xF7A  }
0x23: {  	s9 =	sor.u32 $0xD0000000, s2;
	s6 =	simm.s32 $0x108;
	_ =	swait.ge @!p0 [sflag:s8], $0x0  }
0x24: {  	s3 =	sadd.s32 $0x88, s3;
	s6 =	simm.s32 @!p1 $0x1082;
	[sflag:s4] =	ssyncset.s32 $0xFFFFF086  }
0x25: {  	[simem:s6], [sflag:s4] =	dma.local [hbm:s3], $0xF7A  }
0x26: {  	[smem:$0x3FA0] =	sst s1;
	(tag) =	ssettag s2;
	_ =	strace s9  }
0x27: {  	s1 =	sld [smem:$0x3FB0]  }
0x28: {  	s2 =	sld [smem:$0x3FB1]  }
0x29: {  	s4 =	sld [smem:$0x3FB3]  }
0x2a: {  	p0 =	seq.s32 s5, $0x0;
	s5 =	sld [smem:$0x3FB4]  }
0x2b: {  	s6 =	sld [smem:$0x3FB5]  }
0x2c: {  	s7 =	sld [smem:$0x3FB6]  }
0x2d: {  	s3 =	simm.s32 $0x108;
	s8 =	sld [smem:$0x3FB7]  }
0x2e: {  	s3 =	simm.s32 @!p0 $0x1082;
	s9 =	sld [smem:$0x3FB8]  }
0x2f: {  	lr =	sadd.s32 s0, s3;
	s0 =	sld [smem:$0x3FAF]  }
0x30: {  	s3 =	sld [smem:$0x3FB2]  }
0x31: {  	[smem:$0x3FBB] =	sst s10  }
0x32: {  	s10 =	sld [smem:$0x3FB9];
	_ =	sdelay $0x3  }
0x33: {  	p0 =	seq.s32 s10, $0x1;
	s10 =	sld [smem:$0x3FBB];
	_ =	sdelay $0x3  }
0x34: {  	[smem:$0x3FBB] =	sst s10  }
0x35: {  	s10 =	sld [smem:$0x3FBA];
	_ =	sdelay $0x3  }
0x36: {  	p1 =	seq.s32 s10, $0x1;
	s10 =	sld [smem:$0x3FBB];
	_ =	sdelay $0x3  }
0x37: {  	[smem:$0x3FBB] =	sst s10  }
0x38: {  	s10 =	sld [smem:$0x3FBC]  }
0x39: {  	_ = 	snop;
	(pc) =	sbr.ind lr, $3  }
0x3a: {  	_ = 	snop  }
0x3b: {  	_ = 	snop  }
0x3c: {  	p2 =	seq.s32 s10, $0x1;
	s10 =	sld [smem:$0x3FBB]  }
0x3d: {  	_ =	shalt  }
0x3e: {  	_ =	shalt  }
0x3f: {  	_ =	shalt  }
0x40: {  	_ =	shalt  }
0x41: {  	_ =	shalt  }
0x42: {  	_ =	shalt  }
0x43: {  	_ =	shalt  }
0x44: {  	_ =	shalt  }
0x45: {  	_ =	shalt  }
0x46: {  	_ =	shalt  }
0x47: {  	_ =	shalt  }
0x48: {  	_ =	shalt  }
0x49: {  	_ =	shalt  }
0x4a: {  	_ =	shalt  }
0x4b: {  	_ =	shalt  }
0x4c: {  	_ =	shalt  }
0x4d: {  	_ =	shalt  }
0x4e: {  	_ =	shalt  }
0x4f: {  	_ =	shalt  }
0x50: {  	_ =	shalt  }
0x51: {  	_ =	shalt  }
0x52: {  	_ =	shalt  }
0x53: {  	_ =	shalt  }
0x54: {  	_ =	shalt  }
0x55: {  	_ =	shalt  }
0x56: {  	_ =	shalt  }
0x57: {  	_ =	shalt  }
0x58: {  	_ =	shalt  }
0x59: {  	_ =	shalt  }
0x5a: {  	_ =	shalt  }
0x5b: {  	_ =	shalt  }
0x5c: {  	_ =	shalt  }
0x5d: {  	_ =	shalt  }
0x5e: {  	_ =	shalt  }
0x5f: {  	_ =	shalt  }
0x60: {  	_ =	shalt  }
0x61: {  	_ =	shalt  }
0x62: {  	_ =	shalt  }
0x63: {  	_ =	shalt  }
0x64: {  	_ =	shalt  }
0x65: {  	_ =	shalt  }
0x66: {  	_ =	shalt  }
0x67: {  	_ =	shalt  }
0x68: {  	_ =	shalt  }
0x69: {  	_ =	shalt  }
0x6a: {  	_ =	shalt  }
0x6b: {  	_ =	shalt  }
0x6c: {  	_ =	shalt  }
0x6d: {  	_ =	shalt  }
0x6e: {  	_ =	shalt  }
0x6f: {  	_ =	shalt  }
0x70: {  	_ =	shalt  }
0x71: {  	_ =	shalt  }
0x72: {  	_ =	shalt  }
0x73: {  	_ =	shalt  }
0x74: {  	_ =	shalt  }
0x75: {  	_ =	shalt  }
0x76: {  	_ =	shalt  }
0x77: {  	_ =	shalt  }
0x78: {  	_ =	shalt  }
0x79: {  	_ =	shalt  }
0x7a: {  	_ =	shalt  }
0x7b: {  	_ =	shalt  }
0x7c: {  	_ =	shalt  }
0x7d: {  	_ =	shalt  }
0x7e: {  	_ =	shalt  }
0x7f: {  	_ =	shalt  }
0x80: {  	_ =	shalt  }
0x81: {  	_ =	shalt  }
0x82: {  	_ =	shalt  }
0x83: {  	_ =	shalt  }
0x84: {  	_ =	shalt  }
0x85: {  	_ =	shalt  }
0x86: {  	_ =	shalt  }
0x87: {  	_ =	shalt  }
.Lfunc_end0:
.L_simem_size_0:
called_computation_lowered:
.L_overlay_start_0:
0x88: {  	s2 =	sld [smem:$0x3FD9]  }
0x89: {  	s3 =	sld [smem:$0x3FFE];
	_ =	sdelay $0x1  }
0x8a: {  	s1 =	srdreg.scid  }
0x8b: {  	s0 =	sand.u32 $0x1, s1  }
0x8c: {  	s17 =	sshll.u32 s0, $0xA;
	s2 =	sadd.s32 s3, s2  }
0x8d: {  	s2 =	sadd.s32 s2, s17  }
0x8e: {  	[smem:$0x3FC7] =	sst s2  }
0x8f: {  	_ = 	snop  }
0x90: {  	s2 =	sld [smem:$0x3FC9];
	(tm) =	ssettm $0x1  }
0x91: {  	s18 =	sld [smem:$0x3FFB];
	_ =	sdelay $0x3  }
0x92: {  	_ =	strace s18  }
0x93: {  	s3 =	sld [smem:$0x3FFC];
	_ =	sdelay $0x3  }
0x94: {  	_ =	strace s3  }
0x95: {  	s3 =	sld [smem:$0x3FFD];
	_ =	sdelay $0x3  }
0x96: {  	_ =	strace s3  }
0x97: {  	_ =	strace $0x8FFFFFFF  }
0x98: {  	s19 =	sld [smem:$0x3FDB];
	_ =	sdelay $0x1  }
0x99: {  	s4 =	simm.s32 $_scs_section_size  }
0x9a: {  	s5 =	simm.s32 $_size__tile_overlayer_lowered;
	s6 =	simm.s32 $_tile_overlayer_lowered  }
0x9b: {  	s22 =	simm.s32 $0x1BFF;
	s21 =	sshll.u32 s6, $0x1;
	s3 =	sadd.s32 s4, s19  }
0x9c: {  	s7 =	simm.s32 $0x0;
	s20 =	sshll.u32 s5, $0x1;
	s5 =	sadd.s32 s21, s3  }
0x9d: {  	[timem:s7], [sflag:s22] =	dma.local [hbm:s5], s20  }
0x9e: {  	_ =	swait.ge [sflag:s22], s20  }
0x9f: {  	s4 =	ssub.s32 $0x0, s20;
	[sflag:s22] =	ssyncset.done $0x0  }
0xa0: {  	[sflag:s22] =	ssyncadd.s32 s4;
	_ =	sdelay $0x1  }
0xa1: {  	s23 =	simm.s32 $0x1B8B  }
0xa2: {  	_ =	swait.ge [sflag:s23], $0x1  }
0xa3: {  	[sflag:s23] =	ssyncset.done $0x0  }
0xa4: {  	s25 =	simm.s32 $0x1B8E;
	s24 =	sld [smem:$0x3FFE];
	[sflag:s23] =	ssyncadd.s32 $0xFFFFFFFF  }
0xa5: {  	s26 =	simm.s32 $execute0_lowered;
	[smem:$0x3FD2] =	sst s25  }
0xa6: {  	s5 =	sshll.u32 s26, $0x1;
	_ =	strace $0x80000046;
	[dreg:$0x1] =	wrdreg $0xFFFFFFFF  }
0xa7: {  	s28 =	simm.s32 $_size_execute0_lowered;
	s3 =	sadd.s32 s3, s5;
	[dreg:$0x0] =	wrdreg $0x0  }
0xa8: {  	s5 =	sshll.u32 s28, $0x1;
	[dreg:$0x2] =	wrdreg s3  }
0xa9: {  	[dreg:$0x3] =	wrdreg s5  }
0xaa: {  	[dreg:$0x4] =	wrdreg $0xC0  }
0xab: {  	_ =	task [dreg:s7], $0x5FFFF  }
0xac: {  	[dreg:$0x1] =	wrdreg $0xFFFFFFFF  }
0xad: {  	[dreg:$0x0] =	wrdreg $0x60  }
0xae: {  	[dreg:$0x2] =	wrdreg s2  }
0xaf: {  	[dreg:$0x3] =	wrdreg s24  }
0xb0: {  	[dreg:$0x4] =	wrdreg $0x9  }
0xb1: {  	_ =	task.clear_ibuf [dreg:s7], $0x5FFFF;
	_ =	strace $0x90000046  }
0xb2: {  	s29 =	simm.s32 $0x9;
	_ =	strace $0x80000048  }
0xb3: {  	_ =	swait.ge [sflag:s29], $0x1  }
0xb4: {  	[sflag:s29] =	ssyncadd.s32 $0xFFFFFFFF  }
0xb5: {  	_ =	strace $0x90000048  }
0xb6: {  	_ =	sfence  }
0xb7: {  	s30 =	sld [smem:$0x0];
	_ =	sdelay $0x2  }
0xb8: {  	s31 =	sshll.u32 s1, $0xD;
	s1 =	sshrl.u32 s1, $0x2  }
0xb9: {  	s3 =	sand.u32 $0x4000, s31;
	s1 =	sadd.s32 s1, s30  }
0xba: {  	s0 =	sor.u32 s3, s0;
	s1 =	sshll.u32 s1, $0x11  }
0xbb: {  	s0 =	sor.u32 s1, s0  }
0xbc: {  	s0 =	sadd.s32 $0x8F2B, s0  }
0xbd: {  	[sflag:s0] =	ssyncadd.remote.s32 $0x1  }
0xbe: {  	_ =	sfence.sel $0xFFFF  }
0xbf: {  	[dreg:$0x0] =	wrdreg $0xFFFFFFFF;
	(pc) =	sbr.abs _section_cstart, $3  }
0xc0: {  	[dreg:$0x1] =	wrdreg $0xFFFFFFFF  }
0xc1: {  	_ =	task.clear_ibuf [dreg:s7], $0x2FFFF;
	_ =	strace $0x9FFFFFFF  }
0xc2: {  	(tm) =	ssettm $0x7FFFFFFF  }
0xc3: {  	_ =	shalt  }
tec
execute0_lowered:
.L_overlay_start_1:
0x0: {  	(tag) =	ssettag $0x1  }
0x1: {  	s4 =	rddreg [dreg:$0x0]  }
0x2: {  	s5 =	rddreg [dreg:$0x1]  }
0x3: {  	s3 =	srdreg.scid;
	s0 =	stileid.u32  }
0x4: {  	s2 =	simm.s32 $0x0;
	s11 =	simm.s32 $0x2;
	s12 =	simm.s32 $0x0  }
0x5: {  	s3 =	sand.u32 $0x1, s3;
	s6 =	sshll.u32 s0, $0x1;
	[smem:$0x7FF] =	sst s2  }
0x6: {  	s6 =	sor.u32 s3, s6;
	_ =	strace $0x80000047;
	s9 =	ssub.s32 $0x2, s3  }
0x7: {  	s7 =	sshll.u32 s6, $0xA;
	s8 =	sshll.u32 s6, $0x1;
	s10 =	sshrl.u32 s9, $0x1  }
0x8: {  	s6 =	sshll.u32 s6, $0xB;
	s7 =	sadd.s32 s7, s5;
	s28 =	sadd.s32 s8, s5  }
0x9: {  	v0 =	vimm.f32 $2.645751240e+00;
	v1 =	vimm.f32 $1.732050780e+00;
	v2 =	vimm.f32 $1.290994410e+00;
	s29 =	ssub.s32 s9, s10;
	s30 =	sadd.s32 s4, s6;
	s8 =	simm.s32 $0x1  }
0xa: {  	v3 =	vimm.f32 $1.000000000e+00;
	v4 =	vimm.f32 $7.745966910e-01;
	v8 =	vlaneseq.u32;
	s9 =	simm.s32 $0x4000;
	s26 =	sadd.s32 $0xC00, s7;
	[dreg:$0x4] =	wrdreg s30  }
0xb: {  	v5 =	vimm.f32 $5.773502590e-01;
	v6 =	vimm.f32 $3.779644670e-01;
	v11 =	vmul.u32 $0x4, v8;
	s10 =	simm.s32 $0x6000;
	s31 =	sadd.s32 $0x8C00, s28;
	[dreg:$0x3] =	wrdreg s26  }
0xc: {  	v7 =	vimm.f32 $0.0e+00;
	v9 =	vimm.s32 $0x0;
	v10 =	vimm.s32 $0x1;
	s6 =	sadd.s32 $0x8C40, s28;
	s7 =	smax.u32 s29, $0x1;
	[dreg:$0x5] =	wrdreg s31  }
.LBB2_1:
0xd: {  	s0 =	rddreg [dreg:$0x4]  }
0xe: {  	[tilespmem:s2], [sflag:$0x1] =	stream.linear.gather [hbm4b:s0+s2], $0x4000, $0x38;
	[tilespmem:$0x6100] =	vst v63  }
0xf: {  	[tilespmem:$0x6010] =	vst v0  }
0x10: {  	[tilespmem:$0x6020] =	vst v1  }
0x11: {  	[tilespmem:$0x6030] =	vst v2  }
0x12: {  	[tilespmem:$0x6040] =	vst v3  }
0x13: {  	[tilespmem:$0x6050] =	vst v4  }
0x14: {  	[tilespmem:$0x6060] =	vst v5  }
0x15: {  	[tilespmem:$0x6070] =	vst v6  }
0x16: {  	s13 =	simm.s32 $0x4020;
	[tilespmem:$0x6080] =	vst v7  }
0x17: {  	[tilespmem:s13+$0xFFFFFFE0] =	vst v9  }
0x18: {  	[tilespmem:s13+$0x10] =	vst v9  }
0x19: {  	s14 =	simm.s32 $0x0;
	[tilespmem:s13+$0x0] =	vst v9  }
.LBB2_2:
0x1a: {  	s14 =	sadd.s32 $0x4, s14  }
0x1b: {  	[tilespmem:s13+$0xFFFFFFF0] =	vst v9;
	s13 =	sadd.s32 $0x40, s13;
	p0 =	slt.u32 s14, $0x1FC  }
.Ltmp0:
0x1c: {  	[tilespmem:s13+$0xFFFFFFE0] =	vst v9;
	(pc) =	sbr.rel @p0 .LBB2_2-.Ltmp0, $3  }
0x1d: {  	_ =	sdelay $0x1  }
0x1e: {  	[tilespmem:s13+$0x10] =	vst v9  }
0x1f: {  	[tilespmem:s13+$0x0] =	vst v9  }
0x20: {  	[tilespmem:s13+$0xFFFFFFF0] =	vst v9  }
0x21: {  	_ =	swait.ge [sflag:s8], $0x4000  }
0x22: {  	[sflag:s8] =	ssyncset.done $0x0  }
0x23: {  	s16 =	simm.s32 $0x2000;
	[sflag:s8] =	ssyncadd.s32 $0xFFFFC000  }
0x24: {  	v12 =	vld [tilespmem:s16+$0xFFFFE070]  }
0x25: {  	v13 =	vld [tilespmem:s16+$0xFFFFE000]  }
0x26: {  	v14 =	vld [tilespmem:s16+$0xFFFFE010]  }
0x27: {  	v15 =	vld [tilespmem:s16+$0xFFFFE020]  }
0x28: {  	v16 =	vld [tilespmem:s16+$0xFFFFE030]  }
0x29: {  	v17 =	vld [tilespmem:s16+$0xFFFFE040];
	_ =	sdelay $0x1  }
0x2a: {  	s28 =	simm.s32 $0x0;
	v12 =	vadd.s32 $0xFFFFFFFF, v12  }
0x2b: {  	s14 =	sor.u32 $0x1C0, s28;
	v13 =	vadd.s32 $0xFFFFFFFF, v13;
	v14 =	vadd.s32 $0xFFFFFFFF, v14;
	v19 =	vshra.s32 v12, $0x3  }
0x2c: {  	v15 =	vadd.s32 $0xFFFFFFFF, v15;
	v16 =	vadd.s32 $0xFFFFFFFF, v16;
	v19 =	vadd.s32 s14, v19  }
0x2d: {  	s15 =	sand.u32 $0xE00, s28;
	v17 =	vadd.s32 $0xFFFFFFFF, v17;
	v20 =	vshra.s32 v13, $0x3;
	v19 =	vadd.s32 v11, v19  }
0x2e: {  	v22 =	vshra.s32 v14, $0x3;
	v13 =	vshll.u32 v13, $0x2;
	v20 =	vadd.s32 s15, v20  }
0x2f: {  	v23 =	vshra.s32 v15, $0x3;
	v12 =	vshll.u32 v12, $0x2;
	v20 =	vadd.s32 v11, v20  }
0x30: {  	s29 =	sor.u32 $0x40, s15;
	v24 =	vshra.s32 v16, $0x3;
	v25 =	vshra.s32 v17, $0x3;
	v12 =	vand.u32 $0x1C, v12  }
0x31: {  	s17 =	sor.u32 $0x80, s15;
	v18 =	vld [tilespmem:s16+$0xFFFFE050];
	v14 =	vshll.u32 v14, $0x2;
	v22 =	vadd.s32 s29, v22;
	v12 =	vshll.u32 v10, v12  }
0x32: {  	s30 =	sor.u32 $0xC0, s15;
	v13 =	vand.u32 $0x1C, v13;
	[tilespmem:v19+s9+$0x0] =	vst.idx.add.s32.msk $0xffff, v12;
	v12 =	vadd.s32 s17, v23;
	v19 =	vadd.s32 v11, v22  }
0x33: {  	s31 =	sor.u32 $0x100, s15;
	v21 =	vld [tilespmem:s16+$0xFFFFE060];
	v13 =	vshll.u32 v10, v13;
	v23 =	vadd.s32 s30, v24;
	v12 =	vadd.s32 v11, v12  }
0x34: {  	v15 =	vshll.u32 v15, $0x2;
	v24 =	vadd.s32 s31, v25;
	[tilespmem:v20+s9+$0x0] =	vst.idx.add.s32.msk $0xffff, v13;
	v23 =	vadd.s32 v11, v23  }
0x35: {  	v16 =	vshll.u32 v16, $0x2;
	v14 =	vand.u32 $0x1C, v14;
	v22 =	vld [tilespmem:s16+$0x70];
	v24 =	vadd.s32 v11, v24  }
0x36: {  	v15 =	vand.u32 $0x1C, v15;
	v14 =	vshll.u32 v10, v14;
	v13 =	vshll.u32 v17, $0x2;
	v17 =	vld [tilespmem:s16+$0x0]  }
0x37: {  	v16 =	vand.u32 $0x1C, v16;
	v15 =	vshll.u32 v10, v15;
	[tilespmem:v19+s9+$0x0] =	vst.idx.add.s32.msk $0xffff, v14  }
0x38: {  	v16 =	vshll.u32 v10, v16;
	v13 =	vand.u32 $0x1C, v13;
	[tilespmem:v12+s9+$0x0] =	vst.idx.add.s32.msk $0xffff, v15  }
0x39: {  	v18 =	vadd.s32 $0xFFFFFFFF, v18;
	v13 =	vshll.u32 v10, v13;
	[tilespmem:v23+s9+$0x0] =	vst.idx.add.s32.msk $0xffff, v16  }
0x3a: {  	v21 =	vadd.s32 $0xFFFFFFFF, v21;
	v26 =	vshra.s32 v18, $0x3;
	v18 =	vshll.u32 v18, $0x2;
	[tilespmem:v24+s9+$0x0] =	vst.idx.add.s32.msk $0xffff, v13  }
0x3b: {  	s1 =	sor.u32 $0x180, s15;
	v27 =	vshra.s32 v21, $0x3;
	v13 =	vand.u32 $0x1C, v18;
	v18 =	vld [tilespmem:s16+$0x10]  }
0x3c: {  	s0 =	sor.u32 $0x140, s15;
	v19 =	vadd.s32 s1, v27;
	v14 =	vadd.s32 $0xFFFFFFFF, v22;
	v20 =	vld [tilespmem:s16+$0x20]  }
0x3d: {  	s13 =	sor.u32 $0x11C0, s28;
	v12 =	vshll.u32 v21, $0x2;
	v16 =	vadd.s32 s0, v26;
	v15 =	vshra.s32 v14, $0x3;
	v21 =	vld [tilespmem:s16+$0x30]  }
0x3e: {  	v19 =	vadd.s32 v11, v19;
	v17 =	vadd.s32 $0xFFFFFFFF, v17;
	v23 =	vld [tilespmem:s16+$0x40];
	v15 =	vadd.s32 s13, v15;
	s13 =	simm.s32 $0x2080  }
0x3f: {  	v12 =	vand.u32 $0x1C, v12;
	v16 =	vadd.s32 v11, v16;
	v14 =	vshll.u32 v14, $0x2;
	v24 =	vld [tilespmem:s13+$0xFFFFE070]  }
0x40: {  	v13 =	vshll.u32 v10, v13;
	v22 =	vshll.u32 v17, $0x2;
	v17 =	vshra.s32 v17, $0x3;
	v25 =	vld [tilespmem:s13+$0xFFFFE000]  }
0x41: {  	s3 =	sor.u32 $0x1000, s15;
	v14 =	vand.u32 $0x1C, v14;
	v12 =	vshll.u32 v10, v12;
	v22 =	vand.u32 $0x1C, v22;
	v26 =	vld [tilespmem:s13+$0xFFFFE010]  }
0x42: {  	v17 =	vadd.s32 s3, v17;
	v15 =	vadd.s32 v11, v15;
	v14 =	vshll.u32 v10, v14;
	v28 =	vld [tilespmem:s13+$0xFFFFE020]  }
0x43: {  	v17 =	vadd.s32 v11, v17;
	v22 =	vshll.u32 v10, v22;
	v30 =	vld [tilespmem:s13+$0xFFFFE030];
	v18 =	vadd.s32 $0xFFFFFFFF, v18  }
0x44: {  	v32 =	vld [tilespmem:s13+$0xFFFFE040];
	v27 =	vshll.u32 v18, $0x2;
	v18 =	vshra.s32 v18, $0x3;
	v20 =	vadd.s32 $0xFFFFFFFF, v20  }
0x45: {  	v34 =	vld [tilespmem:s13+$0xFFFFE050];
	v21 =	vadd.s32 $0xFFFFFFFF, v21;
	v23 =	vadd.s32 $0xFFFFFFFF, v23;
	v29 =	vshll.u32 v20, $0x2  }
0x46: {  	s4 =	sor.u32 $0x1040, s15;
	v37 =	vld [tilespmem:s13+$0xFFFFE060];
	v20 =	vshra.s32 v20, $0x3;
	v31 =	vshll.u32 v21, $0x2;
	v21 =	vshra.s32 v21, $0x3  }
0x47: {  	v33 =	vshll.u32 v23, $0x2;
	v23 =	vshra.s32 v23, $0x3;
	v18 =	vadd.s32 s4, v18  }
0x48: {  	v27 =	vand.u32 $0x1C, v27;
	v24 =	vadd.s32 $0xFFFFFFFF, v24;
	v25 =	vadd.s32 $0xFFFFFFFF, v25  }
0x49: {  	s14 =	simm.s32 $0x40;
	v26 =	vadd.s32 $0xFFFFFFFF, v26;
	v28 =	vadd.s32 $0xFFFFFFFF, v28;
	v30 =	vadd.s32 $0xFFFFFFFF, v30  }
0x4a: {  	s18 =	sor.u32 $0x1C0, s14;
	v32 =	vadd.s32 $0xFFFFFFFF, v32;
	v34 =	vadd.s32 $0xFFFFFFFF, v34;
	v35 =	vshra.s32 v24, $0x3  }
0x4b: {  	v37 =	vadd.s32 $0xFFFFFFFF, v37;
	v31 =	vand.u32 $0x1C, v31;
	v35 =	vadd.s32 s18, v35  }
0x4c: {  	v36 =	vshra.s32 v25, $0x3;
	v38 =	vshra.s32 v26, $0x3;
	v35 =	vadd.s32 v11, v35  }
0x4d: {  	v25 =	vshll.u32 v25, $0x2;
	v39 =	vshra.s32 v28, $0x3;
	v40 =	vshra.s32 v30, $0x3  }
0x4e: {  	v24 =	vshll.u32 v24, $0x2;
	v41 =	vshra.s32 v32, $0x3;
	v42 =	vshra.s32 v34, $0x3  }
0x4f: {  	s5 =	sand.u32 $0xE00, s14;
	v26 =	vshll.u32 v26, $0x2;
	v28 =	vshll.u32 v28, $0x2;
	v24 =	vand.u32 $0x1C, v24  }
0x50: {  	s23 =	sor.u32 $0x40, s5;
	v30 =	vshll.u32 v30, $0x2;
	v32 =	vshll.u32 v32, $0x2;
	v24 =	vshll.u32 v10, v24  }
0x51: {  	s19 =	sor.u32 $0x80, s5;
	s20 =	sor.u32 $0xC0, s5;
	s21 =	sor.u32 $0x100, s5;
	v34 =	vshll.u32 v34, $0x2;
	v36 =	vadd.s32 s5, v36;
	v38 =	vadd.s32 s23, v38;
	[tilespmem:v35+s9+$0x0] =	vst.idx.add.s32.msk $0xffff, v24  }
0x52: {  	s24 =	sor.u32 $0x140, s5;
	v39 =	vadd.s32 s19, v39;
	v40 =	vadd.s32 s20, v40;
	v41 =	vadd.s32 s21, v41;
	v35 =	vld [tilespmem:s13+$0x70]  }
0x53: {  	[tilespmem:v19+s9+$0x0] =	vst.idx.add.s32.msk $0xffff, v12;
	v25 =	vand.u32 $0x1C, v25;
	v42 =	vadd.s32 s24, v42;
	v12 =	vadd.s32 v11, v36  }
0x54: {  	[tilespmem:v15+s9+$0x0] =	vst.idx.add.s32.msk $0xffff, v14;
	v14 =	vand.u32 $0x1C, v26;
	v15 =	vand.u32 $0x1C, v28;
	v26 =	vand.u32 $0x1C, v30  }
0x55: {  	[tilespmem:v16+s9+$0x0] =	vst.idx.add.s32.msk $0xffff, v13;
	v13 =	vand.u32 $0x1C, v32;
	v16 =	vand.u32 $0x1C, v34;
	v58 =	vadd.s32 v11, v38  }
0x56: {  	v60 =	vld [tilespmem:s16+$0x60];
	v59 =	vadd.s32 v11, v39;
	v61 =	vadd.s32 v11, v40;
	v62 =	vadd.s32 v11, v41  }
0x57: {  	[tilespmem:v17+s9+$0x0] =	vst.idx.add.s32.msk $0xffff, v22;
	v25 =	vshll.u32 v10, v25;
	v63 =	vadd.s32 v11, v42;
	v28 =	vadd.s32 $0xFFFFFFFF, v35  }
0x58: {  	s25 =	sor.u32 $0x11C0, s14;
	v14 =	vshll.u32 v10, v14;
	v15 =	vshll.u32 v10, v15;
	[tilespmem:v12+s9+$0x0] =	vst.idx.add.s32.msk $0xffff, v25;
	v30 =	vshra.s32 v28, $0x3  }
0x59: {  	v13 =	vshll.u32 v10, v13;
	v16 =	vshll.u32 v10, v16;
	v22 =	vld [tilespmem:s13+$0x0];
	v30 =	vadd.s32 s25, v30  }
0x5a: {  	s22 =	sor.u32 $0x180, s5;
	v24 =	vshra.s32 v37, $0x3;
	v37 =	vshll.u32 v37, $0x2;
	v30 =	vadd.s32 v11, v30  }
0x5b: {  	v57 =	vld [tilespmem:s16+$0x50];
	v12 =	vshll.u32 v10, v26;
	v25 =	vadd.s32 $0xFFFFFFFF, v60;
	v24 =	vadd.s32 s22, v24  }
0x5c: {  	v19 =	vand.u32 $0x1C, v37;
	v26 =	vshra.s32 v25, $0x3;
	v17 =	vshll.u32 v28, $0x2  }
0x5d: {  	s28 =	sor.u32 $0x10C0, s15;
	[tilespmem:v59+s9+$0x0] =	vst.idx.add.s32.msk $0xffff, v15;
	v24 =	vadd.s32 v11, v24;
	v19 =	vshll.u32 v10, v19;
	v17 =	vand.u32 $0x1C, v17  }
0x5e: {  	s26 =	sor.u32 $0x1080, s15;
	[tilespmem:v62+s9+$0x0] =	vst.idx.add.s32.msk $0xffff, v13;
	v15 =	vadd.s32 $0xFFFFFFFF, v22;
	v28 =	vadd.s32 s28, v21;
	v17 =	vshll.u32 v10, v17  }
0x5f: {  	s29 =	sor.u32 $0x1100, s15;
	v13 =	vshll.u32 v15, $0x2;
	v21 =	vadd.s32 v11, v18;
	[tilespmem:v30+s9+$0x0] =	vst.idx.add.s32.msk $0xffff, v17;
	v17 =	vadd.s32 s26, v20  }
0x60: {  	s30 =	sor.u32 $0x1140, s15;
	s15 =	sor.u32 $0x1180, s15;
	[tilespmem:v58+s9+$0x0] =	vst.idx.add.s32.msk $0xffff, v14;
	v20 =	vadd.s32 $0xFFFFFFFF, v57;
	v30 =	vadd.s32 s29, v23;
	v23 =	vshll.u32 v25, $0x2  }
0x61: {  	[tilespmem:v63+s9+$0x0] =	vst.idx.add.s32.msk $0xffff, v16;
	v25 =	vadd.s32 s15, v26;
	v26 =	vand.u32 $0x1C, v29;
	v29 =	vand.u32 $0x1C, v13  }
0x62: {  	[tilespmem:v61+s9+$0x0] =	vst.idx.add.s32.msk $0xffff, v12;
	v14 =	vshll.u32 v20, $0x2;
	v20 =	vshra.s32 v20, $0x3;
	v23 =	vand.u32 $0x1C, v23  }
0x63: {  	v16 =	vld [tilespmem:s13+$0x10];
	v22 =	vadd.s32 v11, v17;
	v17 =	vadd.s32 v11, v28;
	v28 =	vshll.u32 v10, v29  }
0x64: {  	s31 =	sor.u32 $0x1000, s5;
	[tilespmem:v24+s9+$0x0] =	vst.idx.add.s32.msk $0xffff, v19;
	v29 =	vshll.u32 v10, v26;
	v12 =	vadd.s32 s30, v20;
	v20 =	vshra.s32 v15, $0x3  }
0x65: {  	s17 =	sor.u32 $0x1180, s5;
	s16 =	sor.u32 $0x1140, s5;
	v18 =	vld [tilespmem:s13+$0x20];
	v15 =	vand.u32 $0x1C, v33;
	v13 =	vadd.s32 s31, v20;
	v20 =	vand.u32 $0x1C, v14  }
0x66: {  	s20 =	simm.s32 $0x8;
	s21 =	sor.u32 $0x1040, s5;
	s19 =	sor.u32 $0x1080, s5;
	v19 =	vld [tilespmem:s13+$0x30];
	v14 =	vadd.s32 v11, v12;
	v12 =	vadd.s32 v11, v25;
	v24 =	vadd.s32 v11, v13  }
0x67: {  	s18 =	sor.u32 $0x10C0, s5;
	s22 =	simm.s32 $0x2100;
	s15 =	sor.u32 $0x1100, s5;
	v25 =	vld [tilespmem:s13+$0x40];
	v13 =	vadd.s32 v11, v30;
	v30 =	vshll.u32 v10, v27;
	v27 =	vshll.u32 v10, v31  }
.LBB2_4:
0x68: {  	v31 =	vld [tilespmem:s22+$0xFFFFE070];
	s20 =	sadd.s32 $0x8, s20;
	v32 =	vshll.u32 v10, v15;
	v33 =	vshll.u32 v10, v20;
	v34 =	vshll.u32 v10, v23  }
0x69: {  	v35 =	vld [tilespmem:s22+$0xFFFFE000];
	p0 =	slt.u32 s20, $0x1F8;
	v15 =	vadd.s32 $0xFFFFFFFF, v16  }
0x6a: {  	v36 =	vld [tilespmem:s22+$0xFFFFE010];
	v16 =	vshll.u32 v15, $0x2;
	v37 =	vshra.s32 v15, $0x3;
	v18 =	vadd.s32 $0xFFFFFFFF, v18  }
0x6b: {  	v38 =	vld [tilespmem:s22+$0xFFFFE020];
	v15 =	vshll.u32 v18, $0x2;
	v26 =	vshra.s32 v18, $0x3;
	v19 =	vadd.s32 $0xFFFFFFFF, v19  }
0x6c: {  	v39 =	vld [tilespmem:s22+$0xFFFFE030];
	v18 =	vshll.u32 v19, $0x2;
	v23 =	vshra.s32 v19, $0x3;
	v19 =	vadd.s32 $0xFFFFFFFF, v25  }
0x6d: {  	s14 =	sadd.s32 $0x40, s14;
	v40 =	vld [tilespmem:s22+$0xFFFFE040];
	v31 =	vadd.s32 $0xFFFFFFFF, v31;
	v20 =	vshll.u32 v19, $0x2;
	v25 =	vshra.s32 v19, $0x3  }
0x6e: {  	s30 =	sand.u32 $0xE00, s14;
	s23 =	sor.u32 $0x1C0, s14;
	v19 =	vadd.s32 s21, v37;
	v35 =	vadd.s32 $0xFFFFFFFF, v35;
	v41 =	vld [tilespmem:s22+$0xFFFFE050];
	v42 =	vshra.s32 v31, $0x3  }
0x6f: {  	s31 =	sor.u32 $0x40, s30;
	s0 =	sor.u32 $0x80, s30;
	s1 =	sor.u32 $0xC0, s30;
	v37 =	vshra.s32 v35, $0x3;
	v36 =	vadd.s32 $0xFFFFFFFF, v36;
	v43 =	vld [tilespmem:s22+$0xFFFFE060];
	v42 =	vadd.s32 s23, v42  }
0x70: {  	s3 =	sor.u32 $0x100, s30;
	s4 =	sor.u32 $0x140, s30;
	s5 =	sor.u32 $0x180, s30;
	v44 =	vshra.s32 v36, $0x3;
	v38 =	vadd.s32 $0xFFFFFFFF, v38;
	v42 =	vadd.s32 v11, v42;
	v45 =	vld [tilespmem:s13+$0x50]  }
0x71: {  	s29 =	sor.u32 $0x1080, s30;
	s21 =	sor.u32 $0x1040, s30;
	v35 =	vshll.u32 v35, $0x2;
	s23 =	sor.u32 $0x1000, s30;
	v46 =	vshra.s32 v38, $0x3;
	v39 =	vadd.s32 $0xFFFFFFFF, v39;
	v47 =	vld [tilespmem:s13+$0x60]  }
0x72: {  	s25 =	sor.u32 $0x10C0, s30;
	s26 =	sor.u32 $0x1100, s30;
	s24 =	sor.u32 $0x1140, s30;
	v31 =	vshll.u32 v31, $0x2;
	v48 =	vshra.s32 v39, $0x3;
	v40 =	vadd.s32 $0xFFFFFFFF, v40;
	[tilespmem:v24+s9+$0x0] =	vst.idx.add.s32.msk $0xffff, v28  }
0x73: {  	s28 =	sor.u32 $0x1180, s30;
	v31 =	vand.u32 $0x1C, v31;
	s13 =	smov.u32 s22;
	v24 =	vshra.s32 v40, $0x3;
	v28 =	vadd.s32 $0xFFFFFFFF, v41;
	[tilespmem:v21+s9+$0x0] =	vst.idx.add.s32.msk $0xffff, v30  }
0x74: {  	v31 =	vshll.u32 v10, v31;
	v21 =	vshra.s32 v28, $0x3;
	v30 =	vadd.s32 $0xFFFFFFFF, v43;
	[tilespmem:v22+s9+$0x0] =	vst.idx.add.s32.msk $0xffff, v29  }
0x75: {  	v22 =	vshll.u32 v36, $0x2;
	v29 =	vshll.u32 v38, $0x2;
	v36 =	vshra.s32 v30, $0x3;
	[tilespmem:v42+s9+$0x0] =	vst.idx.add.s32.msk $0xffff, v31  }
0x76: {  	v38 =	vshll.u32 v40, $0x2;
	v28 =	vshll.u32 v28, $0x2;
	v31 =	vshll.u32 v39, $0x2;
	v39 =	vld [tilespmem:s22+$0x70]  }
0x77: {  	v37 =	vadd.s32 s30, v37;
	v40 =	vadd.s32 s31, v44;
	v30 =	vshll.u32 v30, $0x2;
	[tilespmem:v17+s9+$0x0] =	vst.idx.add.s32.msk $0xffff, v27  }
0x78: {  	v24 =	vadd.s32 s3, v24;
	v17 =	vadd.s32 s0, v46;
	v27 =	vadd.s32 s1, v48;
	[tilespmem:v13+s9+$0x0] =	vst.idx.add.s32.msk $0xffff, v32  }
0x79: {  	v21 =	vadd.s32 s4, v21;
	v13 =	vand.u32 $0x1C, v35;
	v32 =	vadd.s32 s5, v36;
	[tilespmem:v14+s9+$0x0] =	vst.idx.add.s32.msk $0xffff, v33  }
0x7a: {  	v14 =	vand.u32 $0x1C, v22;
	v22 =	vand.u32 $0x1C, v29;
	v29 =	vand.u32 $0x1C, v31;
	[tilespmem:v12+s9+$0x0] =	vst.idx.add.s32.msk $0xffff, v34  }
0x7b: {  	v28 =	vand.u32 $0x1C, v28;
	v12 =	vand.u32 $0x1C, v38;
	v31 =	vadd.s32 $0xFFFFFFFF, v39  }
0x7c: {  	v30 =	vand.u32 $0x1C, v30;
	s0 =	sor.u32 $0x11C0, s14;
	v33 =	vadd.s32 v11, v37;
	v34 =	vshra.s32 v31, $0x3  }
0x7d: {  	v35 =	vadd.s32 v11, v40;
	v17 =	vadd.s32 v11, v17;
	v34 =	vadd.s32 s0, v34  }
0x7e: {  	v24 =	vadd.s32 v11, v24;
	v27 =	vadd.s32 v11, v27;
	v34 =	vadd.s32 v11, v34  }
0x7f: {  	v21 =	vadd.s32 v11, v21;
	v13 =	vshll.u32 v10, v13;
	v32 =	vadd.s32 v11, v32  }
0x80: {  	v14 =	vshll.u32 v10, v14;
	v22 =	vshll.u32 v10, v22;
	v31 =	vshll.u32 v31, $0x2  }
0x81: {  	v12 =	vshll.u32 v10, v12;
	[tilespmem:v33+s9+$0x0] =	vst.idx.add.s32.msk $0xffff, v13;
	v13 =	vshll.u32 v10, v29;
	v29 =	vand.u32 $0x1C, v31  }
0x82: {  	v28 =	vshll.u32 v10, v28;
	v30 =	vshll.u32 v10, v30;
	v31 =	vld [tilespmem:s22+$0x0];
	v29 =	vshll.u32 v10, v29  }
0x83: {  	v26 =	vadd.s32 s19, v26;
	s19 =	smov.u32 s29;
	v33 =	vadd.s32 $0xFFFFFFFF, v47;
	[tilespmem:v34+s9+$0x0] =	vst.idx.add.s32.msk $0xffff, v29;
	v29 =	vadd.s32 $0xFFFFFFFF, v45  }
0x84: {  	v34 =	vshra.s32 v33, $0x3;
	[tilespmem:v35+s9+$0x0] =	vst.idx.add.s32.msk $0xffff, v14;
	v14 =	vshll.u32 v29, $0x2;
	v29 =	vshra.s32 v29, $0x3  }
0x85: {  	v25 =	vadd.s32 s15, v25;
	s15 =	smov.u32 s26;
	[tilespmem:v17+s9+$0x0] =	vst.idx.add.s32.msk $0xffff, v22;
	v17 =	vadd.s32 s18, v23;
	v22 =	vshll.u32 v33, $0x2;
	s18 =	smov.u32 s25  }
0x86: {  	v29 =	vadd.s32 s16, v29;
	v33 =	vadd.s32 s17, v34;
	s16 =	smov.u32 s24;
	s17 =	smov.u32 s28;
	[tilespmem:v27+s9+$0x0] =	vst.idx.add.s32.msk $0xffff, v13;
	v27 =	vand.u32 $0x1C, v16  }
0x87: {  	v34 =	vand.u32 $0x1C, v18;
	v13 =	vadd.s32 $0xFFFFFFFF, v31;
	[tilespmem:v24+s9+$0x0] =	vst.idx.add.s32.msk $0xffff, v12;
	v31 =	vand.u32 $0x1C, v15  }
0x88: {  	v15 =	vand.u32 $0x1C, v20;
	v12 =	vshll.u32 v13, $0x2;
	v13 =	vshra.s32 v13, $0x3;
	[tilespmem:v21+s9+$0x0] =	vst.idx.add.s32.msk $0xffff, v28  }
.Ltmp1:
0x89: {  	v20 =	vand.u32 $0x1C, v14;
	v12 =	vand.u32 $0x1C, v12;
	v13 =	vadd.s32 s23, v13;
	[tilespmem:v32+s9+$0x0] =	vst.idx.add.s32.msk $0xffff, v30;
	(pc) =	sbr.rel @p0 .LBB2_4-.Ltmp1, $4  }
0x8a: {  	v23 =	vand.u32 $0x1C, v22;
	v21 =	vadd.s32 v11, v19;
	v24 =	vadd.s32 v11, v13;
	v16 =	vld [tilespmem:s22+$0x10]  }
0x8b: {  	v22 =	vadd.s32 v11, v26;
	v17 =	vadd.s32 v11, v17;
	v13 =	vadd.s32 v11, v25;
	v18 =	vld [tilespmem:s22+$0x20]  }
0x8c: {  	v14 =	vadd.s32 v11, v29;
	v28 =	vshll.u32 v10, v12;
	v12 =	vadd.s32 v11, v33;
	v19 =	vld [tilespmem:s22+$0x30]  }
0x8d: {  	v29 =	vshll.u32 v10, v31;
	v30 =	vshll.u32 v10, v27;
	v27 =	vshll.u32 v10, v34;
	s22 =	sadd.s32 $0x80, s22;
	v25 =	vld [tilespmem:s13+$0x40]  }
0x8e: {  	_ = 	snop  }
0x8f: {  	v15 =	vshll.u32 v10, v15;
	v20 =	vshll.u32 v10, v20;
	v16 =	vadd.s32 $0xFFFFFFFF, v16  }
0x90: {  	v26 =	vld [tilespmem:s13+$0x50];
	v23 =	vshll.u32 v10, v23;
	v31 =	vshll.u32 v16, $0x2;
	v18 =	vadd.s32 $0xFFFFFFFF, v18  }
0x91: {  	v32 =	vld [tilespmem:s13+$0x60];
	v16 =	vshra.s32 v16, $0x3;
	v33 =	vshll.u32 v18, $0x2;
	v19 =	vadd.s32 $0xFFFFFFFF, v19  }
0x92: {  	[tilespmem:v13+s9+$0x0] =	vst.idx.add.s32.msk $0xffff, v15;
	v18 =	vshra.s32 v18, $0x3;
	v16 =	vadd.s32 s21, v16;
	v15 =	vand.u32 $0x1C, v31  }
0x93: {  	[tilespmem:v24+s9+$0x0] =	vst.idx.add.s32.msk $0xffff, v28;
	v34 =	vshll.u32 v19, $0x2;
	v25 =	vadd.s32 $0xFFFFFFFF, v25;
	v19 =	vshra.s32 v19, $0x3  }
0x94: {  	[tilespmem:v12+s9+$0x0] =	vst.idx.add.s32.msk $0xffff, v23;
	v18 =	vadd.s32 s19, v18;
	v16 =	vadd.s32 v11, v16;
	v12 =	vand.u32 $0x1C, v33  }
0x95: {  	[tilespmem:v21+s9+$0x0] =	vst.idx.add.s32.msk $0xffff, v30;
	v35 =	vshll.u32 v25, $0x2;
	v25 =	vshra.s32 v25, $0x3;
	v21 =	vadd.s32 $0xFFFFFFFF, v26  }
0x96: {  	[tilespmem:v22+s9+$0x0] =	vst.idx.add.s32.msk $0xffff, v29;
	v22 =	vadd.s32 $0xFFFFFFFF, v32;
	v19 =	vadd.s32 s18, v19;
	v18 =	vadd.s32 v11, v18  }
0x97: {  	[tilespmem:v17+s9+$0x0] =	vst.idx.add.s32.msk $0xffff, v27;
	v24 =	vshra.s32 v21, $0x3;
	v13 =	vadd.s32 s15, v25;
	v19 =	vadd.s32 v11, v19  }
0x98: {  	[tilespmem:v14+s9+$0x0] =	vst.idx.add.s32.msk $0xffff, v20;
	v17 =	vshra.s32 v22, $0x3;
	v14 =	vadd.s32 s16, v24;
	v13 =	vadd.s32 v11, v13  }
0x99: {  	v15 =	vshll.u32 v10, v15;
	v17 =	vadd.s32 s17, v17;
	v14 =	vadd.s32 v11, v14  }
0x9a: {  	v20 =	vand.u32 $0x1C, v34;
	v12 =	vshll.u32 v10, v12;
	v17 =	vadd.s32 v11, v17;
	[tilespmem:v16+s9+$0x0] =	vst.idx.add.s32.msk $0xffff, v15  }
0x9b: {  	v20 =	vshll.u32 v10, v20;
	v15 =	vshll.u32 v21, $0x2;
	v16 =	vand.u32 $0x1C, v35;
	[tilespmem:v18+s9+$0x0] =	vst.idx.add.s32.msk $0xffff, v12  }
0x9c: {  	v12 =	vshll.u32 v22, $0x2;
	v15 =	vand.u32 $0x1C, v15;
	v16 =	vshll.u32 v10, v16;
	[tilespmem:v19+s9+$0x0] =	vst.idx.add.s32.msk $0xffff, v20  }
0x9d: {  	v12 =	vand.u32 $0x1C, v12;
	v15 =	vshll.u32 v10, v15;
	[tilespmem:v13+s9+$0x0] =	vst.idx.add.s32.msk $0xffff, v16  }
0x9e: {  	v12 =	vshll.u32 v10, v12;
	[tilespmem:v14+s9+$0x0] =	vst.idx.add.s32.msk $0xffff, v15  }
0x9f: {  	[tilespmem:v17+s9+$0x0] =	vst.idx.add.s32.msk $0xffff, v12  }
0xa0: {  	s13 =	simm.s32 $0x0;
	s19 =	simm.s32 $0x0;
	s0 =	rddreg [dreg:$0x3]  }
0xa1: {  	[hbm4b:s0+s13] =	stream.linear.scatter [tilespmem:s9], [sflag:$0x1], $0x2000, $0x38;
	[tilespmem:$0x6100] =	vst v63  }
0xa2: {  	s1 =	simm.s32 $0x0;
	v12 =	vld [tilespmem:s19+$0x0]  }
0xa3: {  	s3 =	simm.s32 $0x30;
	s1 =	sand.u32 $0x1FC0, s1  }
0xa4: {  	s3 =	sand.u32 $0x1FF0, s3;
	v13 =	vld [tilespmem:s1+$0x2000]  }
0xa5: {  	v15 =	vld [tilespmem:s3+$0x2000]  }
0xa6: {  	s20 =	simm.s32 $0x10;
	v16 =	vld [tilespmem:s19+$0x10]  }
0xa7: {  	s4 =	sand.u32 $0x100, s13;
	s21 =	sand.u32 $0xE00, s13;
	v17 =	vld [tilespmem:s19+$0x30];
	s1 =	sand.u32 $0x1FD0, s20;
	v20 =	vadd.s32 $0xFFFFFFFF, v12  }
0xa8: {  	s4 =	sor.u32 s4, s21;
	v18 =	vld [tilespmem:s1+$0x2000];
	v12 =	vshra.s32 v20, $0x3  }
0xa9: {  	s22 =	simm.s32 $0x20;
	v19 =	vld [tilespmem:s19+$0x20];
	v24 =	vadd.s32 $0xFFFFFFFF, v13;
	v12 =	vadd.s32 s4, v12  }
0xaa: {  	s24 =	simm.s32 $0x40;
	s23 =	sor.u32 $0x1000, s4;
	s0 =	sand.u32 $0x1FE0, s22;
	v21 =	vadd.s32 v11, v12;
	v12 =	vshra.s32 v24, $0x3  }
0xab: {  	s25 =	sand.u32 $0x140, s24;
	v14 =	vimm.f32 $0.0e+00;
	v23 =	vld [tilespmem:s0+$0x2000];
	v22 =	vadd.s32 $0xFFFFFFFF, v16;
	v13 =	vadd.s32 s23, v12  }
0xac: {  	s26 =	sor.u32 s21, s25;
	v12 =	vadd.s32 $0xFFFFFFFF, v15;
	v15 =	vshra.s32 v22, $0x3;
	v25 =	vadd.s32 v11, v13  }
0xad: {  	s28 =	simm.s32 $0x80;
	v16 =	vadd.s32 $0xFFFFFFFF, v18;
	v13 =	vadd.s32 $0xFFFFFFFF, v17;
	v15 =	vadd.s32 s26, v15  }
0xae: {  	s0 =	sor.u32 $0x1000, s26;
	s1 =	sand.u32 $0x180, s28;
	v17 =	vshra.s32 v16, $0x3;
	v26 =	vadd.s32 v11, v15;
	v15 =	vadd.s32 $0xFFFFFFFF, v19  }
0xaf: {  	s30 =	simm.s32 $0xC0;
	s29 =	sor.u32 s21, s1;
	v18 =	vshll.u32 v22, $0x2;
	v17 =	vadd.s32 s0, v17;
	v19 =	vshra.s32 v15, $0x3;
	v27 =	vld.idx.msk [tilespmem:v21+s9+$0x0], $0xffff  }
0xb0: {  	s1 =	sand.u32 $0x1C0, s30;
	v28 =	vadd.s32 v11, v17;
	v17 =	vadd.s32 $0xFFFFFFFF, v23;
	v19 =	vadd.s32 s29, v19  }
0xb1: {  	s1 =	sor.u32 s21, s1;
	v20 =	vshll.u32 v20, $0x2;
	s0 =	sor.u32 $0x1000, s29;
	v21 =	vshra.s32 v17, $0x3;
	v19 =	vadd.s32 v11, v19;
	v23 =	vld.idx.msk [tilespmem:v25+s9+$0x0], $0xffff  }
0xb2: {  	s31 =	sor.u32 $0x1000, s1;
	v20 =	vand.u32 $0x1C, v20;
	v22 =	vshra.s32 v12, $0x3;
	v21 =	vadd.s32 s0, v21  }
0xb3: {  	v29 =	vshra.s32 v13, $0x3;
	v21 =	vadd.s32 v11, v21;
	v25 =	vadd.s32 s31, v22;
	v22 =	vld.idx.msk [tilespmem:v26+s9+$0x0], $0xffff  }
0xb4: {  	v24 =	vshll.u32 v24, $0x2;
	v29 =	vadd.s32 s1, v29;
	v26 =	vshra.s32 v27, v20  }
0xb5: {  	s14 =	simm.s32 $0x0;
	s15 =	simm.s32 $0x70;
	s16 =	simm.s32 $0x0;
	v20 =	vld.idx.msk [tilespmem:v28+s9+$0x0], $0xffff;
	v27 =	vand.u32 $0x1C, v24;
	v24 =	vadd.s32 v11, v29;
	v26 =	vshll.u32 v26, $0x4  }
.LBB2_6:
0xb6: {  	s0 =	sand.u32 $0x1FF0, s15;
	v26 =	vor.u32 v8, v26;
	v23 =	vshra.s32 v23, v27;
	v19 =	vld.idx.msk [tilespmem:v19+s9+$0x0], $0xffff;
	v25 =	vadd.s32 v11, v25  }
0xb7: {  	v18 =	vand.u32 $0x1C, v18;
	s13 =	sadd.s32 $0x100, s13;
	v27 =	vld [tilespmem:s0+$0x2000];
	v26 =	vand.u32 $0xFF, v26;
	v23 =	vshll.u32 v23, $0x4  }
0xb8: {  	v16 =	vshll.u32 v16, $0x2;
	s0 =	sshra.s32 s13, $0x2;
	v18 =	vshra.s32 v22, v18;
	v23 =	vor.u32 v8, v23;
	v21 =	vld.idx.msk [tilespmem:v21+s9+$0x0], $0xffff  }
0xb9: {  	v16 =	vand.u32 $0x1C, v16;
	v18 =	vshll.u32 v18, $0x4;
	v22 =	vld [tilespmem:s0+$0x30];
	v23 =	vand.u32 $0xFF, v23  }
0xba: {  	v15 =	vshll.u32 v15, $0x2;
	v18 =	vor.u32 v8, v18;
	v16 =	vshra.s32 v20, v16;
	v20 =	vld.idx.msk [tilespmem:v24+s9+$0x0], $0xffff  }
0xbb: {  	v15 =	vand.u32 $0x1C, v15;
	v18 =	vand.u32 $0xFF, v18;
	v16 =	vshll.u32 v16, $0x4;
	v24 =	vld.idx.msk [tilespmem:v25+s9+$0x0], $0xffff  }
0xbc: {  	v17 =	vshll.u32 v17, $0x2;
	v16 =	vor.u32 v8, v16;
	v15 =	vshra.s32 v19, v15;
	v25 =	vld.idx.msk [tilespmem:v26+s10+$0x0], $0xffff  }
0xbd: {  	v17 =	vand.u32 $0x1C, v17;
	v16 =	vand.u32 $0xFF, v16;
	v15 =	vshll.u32 v15, $0x4;
	v19 =	vld [tilespmem:s0+$0x20]  }
0xbe: {  	s14 =	sadd.s32 $0x4, s14;
	v13 =	vshll.u32 v13, $0x2;
	v15 =	vor.u32 v8, v15;
	v17 =	vshra.s32 v21, v17;
	v23 =	vld.idx.msk [tilespmem:v23+s10+$0x0], $0xffff  }
0xbf: {  	s1 =	sadd.s32 $0xFFFFFFD0, s15;
	p0 =	slt.u32 s14, $0x1FC;
	v13 =	vand.u32 $0x1C, v13;
	v15 =	vand.u32 $0xFF, v15;
	v17 =	vshll.u32 v17, $0x4;
	v21 =	vld [tilespmem:s0+$0x0]  }
0xc0: {  	v12 =	vshll.u32 v12, $0x2;
	s1 =	sand.u32 $0x1FC0, s1;
	v17 =	vor.u32 v8, v17;
	v13 =	vshra.s32 v20, v13;
	v18 =	vld.idx.msk [tilespmem:v18+s10+$0x0], $0xffff  }
0xc1: {  	v12 =	vand.u32 $0x1C, v12;
	v17 =	vand.u32 $0xFF, v17;
	v13 =	vshll.u32 v13, $0x4;
	v20 =	vld [tilespmem:s1+$0x2000]  }
0xc2: {  	v12 =	vshra.s32 v24, v12;
	v14 =	vadd.f32 v25, v14;
	v13 =	vor.u32 v8, v13;
	v16 =	vld.idx.msk [tilespmem:v16+s10+$0x0], $0xffff  }
0xc3: {  	s16 =	sadd.s32 $0x20, s16;
	s1 =	sadd.s32 $0xFFFFFFE0, s15;
	v12 =	vshll.u32 v12, $0x4;
	v13 =	vand.u32 $0xFF, v13;
	v24 =	vld [tilespmem:s0+$0x10]  }
0xc4: {  	s17 =	sand.u32 $0xE00, s16;
	s1 =	sand.u32 $0x1FD0, s1;
	v12 =	vor.u32 v8, v12;
	s0 =	sand.u32 $0x100, s13;
	v14 =	vadd.f32 v23, v14;
	v21 =	vadd.s32 $0xFFFFFFFF, v21;
	v15 =	vld.idx.msk [tilespmem:v15+s10+$0x0], $0xffff  }
0xc5: {  	v26 =	vand.u32 $0xFF, v12;
	s0 =	sor.u32 s0, s17;
	v23 =	vshra.s32 v21, $0x3;
	v25 =	vld [tilespmem:s1+$0x2000]  }
0xc6: {  	v14 =	vadd.f32 v18, v14;
	v12 =	vadd.s32 s0, v23;
	v20 =	vadd.s32 $0xFFFFFFFF, v20;
	v17 =	vld.idx.msk [tilespmem:v17+s10+$0x0], $0xffff  }
0xc7: {  	s3 =	sadd.s32 $0xFFFFFFF0, s15;
	s1 =	sadd.s32 $0x40, s13;
	s0 =	sor.u32 $0x1000, s0;
	v18 =	vadd.s32 v11, v12;
	v23 =	vshra.s32 v20, $0x3;
	v12 =	vadd.s32 $0xFFFFFFFF, v27  }
0xc8: {  	v14 =	vadd.f32 v16, v14;
	v23 =	vadd.s32 s0, v23;
	s0 =	sand.u32 $0x140, s1;
	v24 =	vadd.s32 $0xFFFFFFFF, v24;
	s1 =	sand.u32 $0x1FE0, s3;
	v27 =	vld.idx.msk [tilespmem:v13+s10+$0x0], $0xffff  }
0xc9: {  	v13 =	vadd.s32 $0xFFFFFFFF, v22;
	v23 =	vadd.s32 v11, v23;
	s0 =	sor.u32 s17, s0;
	v16 =	vshra.s32 v24, $0x3;
	v28 =	vld [tilespmem:s1+$0x2000]  }
0xca: {  	v14 =	vadd.f32 v15, v14;
	v22 =	vadd.s32 s0, v16;
	v16 =	vadd.s32 $0xFFFFFFFF, v25;
	v25 =	vld.idx.msk [tilespmem:v26+s10+$0x0], $0xffff  }
0xcb: {  	s1 =	sadd.s32 $0x80, s13;
	v15 =	vadd.s32 $0xFFFFFFFF, v19;
	s0 =	sor.u32 $0x1000, s0;
	v22 =	vadd.s32 v11, v22;
	v26 =	vshra.s32 v16, $0x3  }
0xcc: {  	v14 =	vadd.f32 v17, v14;
	v29 =	vld.idx.msk [tilespmem:v18+s9+$0x0], $0xffff;
	v18 =	vshll.u32 v24, $0x2;
	v19 =	vadd.s32 s0, v26;
	s0 =	sand.u32 $0x180, s1  }
0xcd: {  	v17 =	vshra.s32 v15, $0x3;
	s1 =	sadd.s32 $0xC0, s13;
	v26 =	vshra.s32 v12, $0x3;
	v24 =	vadd.s32 v11, v19;
	s0 =	sor.u32 s17, s0  }
0xce: {  	s1 =	sand.u32 $0x1C0, s1;
	v14 =	vadd.f32 v27, v14;
	v23 =	vld.idx.msk [tilespmem:v23+s9+$0x0], $0xffff;
	v19 =	vadd.s32 s0, v17;
	v17 =	vadd.s32 $0xFFFFFFFF, v28  }
.Ltmp2:
0xcf: {  	s0 =	sor.u32 $0x1000, s0;
	s1 =	sor.u32 s17, s1;
	v28 =	vshra.s32 v13, $0x3;
	v19 =	vadd.s32 v11, v19;
	v27 =	vshra.s32 v17, $0x3;
	(pc) =	sbr.rel @p0 .LBB2_6-.Ltmp2, $4  }
0xd0: {  	v21 =	vshll.u32 v21, $0x2;
	v14 =	vadd.f32 v25, v14;
	v22 =	vld.idx.msk [tilespmem:v22+s9+$0x0], $0xffff;
	v27 =	vadd.s32 s0, v27;
	s0 =	sor.u32 $0x1000, s1  }
0xd1: {  	v30 =	vand.u32 $0x1C, v21;
	v21 =	vadd.s32 v11, v27;
	v25 =	vadd.s32 s0, v26  }
0xd2: {  	v26 =	vshra.s32 v29, v30;
	v27 =	vshll.u32 v20, $0x2;
	v20 =	vld.idx.msk [tilespmem:v24+s9+$0x0], $0xffff;
	v24 =	vadd.s32 s1, v28  }
0xd3: {  	s15 =	sadd.s32 $0x40, s15;
	v26 =	vshll.u32 v26, $0x4;
	v27 =	vand.u32 $0x1C, v27;
	v24 =	vadd.s32 v11, v24  }
0xd4: {  	_ =	sdelay $0x1  }
0xd5: {  	v26 =	vor.u32 v8, v26  }
0xd6: {  	v23 =	vshra.s32 v23, v27;
	v25 =	vadd.s32 v11, v25;
	v18 =	vand.u32 $0x1C, v18  }
0xd7: {  	v19 =	vld.idx.msk [tilespmem:v19+s9+$0x0], $0xffff;
	v16 =	vshll.u32 v16, $0x2;
	v26 =	vand.u32 $0xFF, v26;
	v23 =	vshll.u32 v23, $0x4  }
0xd8: {  	v15 =	vshll.u32 v15, $0x2;
	v18 =	vshra.s32 v22, v18;
	v59 =	vor.u32 v8, v23  }
0xd9: {  	v21 =	vld.idx.msk [tilespmem:v21+s9+$0x0], $0xffff;
	v16 =	vand.u32 $0x1C, v16;
	v18 =	vshll.u32 v18, $0x4;
	v22 =	vand.u32 $0xFF, v59  }
0xda: {  	v17 =	vshll.u32 v17, $0x2;
	v18 =	vor.u32 v8, v18;
	v16 =	vshra.s32 v20, v16  }
0xdb: {  	v60 =	vld.idx.msk [tilespmem:v24+s9+$0x0], $0xffff;
	v15 =	vand.u32 $0x1C, v15;
	v18 =	vand.u32 $0xFF, v18;
	v16 =	vshll.u32 v16, $0x4  }
0xdc: {  	v13 =	vshll.u32 v13, $0x2;
	v16 =	vor.u32 v8, v16;
	v15 =	vshra.s32 v19, v15;
	v61 =	vld.idx.msk [tilespmem:v26+s10+$0x0], $0xffff  }
0xdd: {  	v17 =	vand.u32 $0x1C, v17;
	v62 =	vld.idx.msk [tilespmem:v25+s9+$0x0], $0xffff;
	v16 =	vand.u32 $0xFF, v16;
	v15 =	vshll.u32 v15, $0x4  }
0xde: {  	v12 =	vshll.u32 v12, $0x2;
	v17 =	vshra.s32 v21, v17;
	v15 =	vor.u32 v8, v15;
	v63 =	vld.idx.msk [tilespmem:v22+s10+$0x0], $0xffff  }
0xdf: {  	v13 =	vand.u32 $0x1C, v13;
	v17 =	vshll.u32 v17, $0x4;
	v15 =	vand.u32 $0xFF, v15  }
0xe0: {  	v12 =	vand.u32 $0x1C, v12;
	v13 =	vshra.s32 v60, v13;
	v17 =	vor.u32 v8, v17;
	v18 =	vld.idx.msk [tilespmem:v18+s10+$0x0], $0xffff  }
0xe1: {  	v13 =	vshll.u32 v13, $0x4;
	v17 =	vand.u32 $0xFF, v17;
	v14 =	vadd.f32 v61, v14  }
0xe2: {  	v13 =	vor.u32 v8, v13;
	v12 =	vshra.s32 v62, v12;
	v16 =	vld.idx.msk [tilespmem:v16+s10+$0x0], $0xffff  }
0xe3: {  	v13 =	vand.u32 $0xFF, v13;
	v12 =	vshll.u32 v12, $0x4;
	v14 =	vadd.f32 v63, v14  }
0xe4: {  	v12 =	vor.u32 v8, v12;
	v15 =	vld.idx.msk [tilespmem:v15+s10+$0x0], $0xffff  }
0xe5: {  	v12 =	vand.u32 $0xFF, v12;
	v14 =	vadd.f32 v18, v14  }
0xe6: {  	v17 =	vld.idx.msk [tilespmem:v17+s10+$0x0], $0xffff  }
0xe7: {  	v14 =	vadd.f32 v16, v14  }
0xe8: {  	v13 =	vld.idx.msk [tilespmem:v13+s10+$0x0], $0xffff  }
0xe9: {  	v14 =	vadd.f32 v15, v14  }
0xea: {  	v12 =	vld.idx.msk [tilespmem:v12+s10+$0x0], $0xffff  }
0xeb: {  	v14 =	vadd.f32 v17, v14;
	_ =	sdelay $0x1  }
0xec: {  	v13 =	vadd.f32 v13, v14;
	_ =	sdelay $0x1  }
0xed: {  	v12 =	vadd.f32 v12, v13;
	_ =	sdelay $0x1  }
0xee: {  	s0 =	rddreg [dreg:$0x5];
	[tilespmem:$0x6000] =	vst v12  }
0xef: {  	[hbm4b:s0+s2] =	stream.linear.scatter [tilespmem:s10], [sflag:$0x2], $0x10, $0x38;
	[tilespmem:$0x6100] =	vst v63  }
0xf0: {  	_ =	swait.ge [sflag:s11], $0x10  }
0xf1: {  	[sflag:s11] =	ssyncset.done $0x0  }
0xf2: {  	[sflag:s11] =	ssyncadd.s32 $0xFFFFFFF0  }
0xf3: {  	s12 =	sadd.s32 $0x1, s12;
	[tilespmem:$0x6000] =	vst v7  }
0xf4: {  	[hbm4b:s6+s2] =	stream.linear.scatter [tilespmem:s10], [sflag:$0x2], $0x10, $0x38;
	[tilespmem:$0x6100] =	vst v63  }
0xf5: {  	p0 =	sne.s32 s12, s7;
	_ =	swait.ge [sflag:s8], $0x2000  }
.Ltmp3:
0xf6: {  	[sflag:s8] =	ssyncset.done $0x0;
	(pc) =	sbr.rel @p0 .LBB2_1-.Ltmp3, $4  }
0xf7: {  	[sflag:s8] =	ssyncadd.s32 $0xFFFFE000  }
0xf8: {  	_ =	swait.ge [sflag:s11], $0x10  }
0xf9: {  	[sflag:s11] =	ssyncset.done $0x0  }
0xfa: {  	[sflag:s11] =	ssyncadd.s32 $0xFFFFFFF0  }
0xfb: {  	_ =	sfence.sel $0x180000  }
0xfc: {  	[bflag:$0x0] =	sbarrier.arrive $0xFFFF  }
0xfd: {  	_ =	strace $0x90000047  }
0xfe: {  	s0 =	stileid.u32;
	[bflag:$0x2] =	sbarrier.arrive $0xFFFF  }
0xff: {  	p0 =	sne.s32 s0, $0x0;
	s0 =	rddreg [dreg:$0x2]  }
0x100: {  	s0 =	sadd.s32 @!p0 $0x100000, s0  }
0x101: {  	[sflag:s0] =	ssyncadd.tile.s32 @!p0 $0x1;
	_ =	shalt  }
.Lfunc_end2:
_tile_overlayer_lowered:
.L_overlay_start_2:
0x102: {  	(tag) =	ssettag $0x2  }
0x103: {  	s0 =	rddreg [dreg:$0x0];
	s2 =	stileid.u32  }
0x104: {  	s1 =	rddreg [dreg:$0x1];
	p0 =	sne.s32 s2, $0x0  }
0x105: {  	s3 =	rddreg [dreg:$0x2];
	[bflag:$0x3] =	sbarrier.arrive $0xFFFF;
	s2 =	simm.s32 @!p0 $0x1C03  }
0x106: {  	[timem:s3], [sflag:s2] =	dma.local @!p0 [hbm:s0], s1  }
0x107: {  	s0 =	simm.s32 @!p0 $0x3  }
0x108: {  	_ =	swait.ge @!p0 [sflag:s0], s1  }
0x109: {  	s1 =	ssub.s32 @!p0 $0x0, s1;
	[sflag:s0] =	ssyncset.done @!p0 $0x0  }
0x10a: {  	[sflag:s0] =	ssyncadd.s32 @!p0 s1  }
0x10b: {  	[bflag:$0x3] =	sbarrier.arrive $0xFFFF  }
0x10c: {  	_ =	shalt  }

</sc_bundles>
